<compile_context>
chip_gen: v7x
topology: tpu7x:2x2x1
jax: 0.10.2.dev20260603
libtpu: 0.0.44.dev20260713+nightly
codegen_flags: <defaults>
</compile_context>

<pallas_src>
import functools

import jax
import jax.numpy as jnp
from jax import lax
from jax.experimental import pallas as pl
from jax.experimental.pallas import tpu as pltpu
from jax.experimental.pallas import tpu_sc as plsc

N = 10000
E = 320000
D = 128
H = 128
C = 40

DP = 144
DH = DP // 2
NC = 2
NS = 16
BLK = 128
NB = 160
EPAD = NS * NB * BLK
NA = N + 128
ZR = NA // NS
RPT = N // NS


def _make_sc_agg(dh):

    def body(table_hbm, src_hbm, dst_hbm, out_hbm,
             src_v, dst_v, rows_v, rows2_v, rows3_v, rows4_v, agg_sh,
             gsem, gsem2, gsem3, gsem4):
        c = lax.axis_index("c")
        s = lax.axis_index("s")

        zoffs = sorted({min(j * 16, dh - 16) for j in range(-(-dh // 16))})

        def zi(i, carry):
            for off in zoffs:
                rows_v[i, pl.ds(off, 16)] = jnp.zeros((16,), jnp.float32)
            return carry
        lax.fori_loop(0, BLK, zi, 0)

        for k in range(ZR // BLK):
            pltpu.sync_copy(rows_v, agg_sh.at[pl.ds(s * ZR + k * BLK, BLK)])
        ztail = ZR % BLK
        if ztail:
            pltpu.sync_copy(rows_v.at[pl.ds(0, ztail)],
                            agg_sh.at[pl.ds(s * ZR + ZR - ztail, ztail)])

        pltpu.sync_copy(src_hbm.at[c, s], src_v)
        pltpu.sync_copy(dst_hbm.at[s], dst_v)

        plsc.subcore_barrier()

        def start(b, buf, sem):
            pltpu.async_copy(table_hbm.at[src_v.at[b]], buf, sem)

        def drain(buf, sem):
            pltpu.make_async_copy(table_hbm.at[pl.ds(0, BLK)], buf,
                                  sem).wait()

        bufs = (rows_v, rows2_v, rows3_v, rows4_v)
        sems = (gsem, gsem2, gsem3, gsem4)
        nd = len(bufs)
        for k in range(nd):
            start(k, bufs[k], sems[k])

        def eb(g, carry):
            for k in range(nd):
                b = nd * g + k
                drain(bufs[k], sems[k])
                pltpu.sync_copy(bufs[k], agg_sh.at[dst_v.at[b]], add=True)
                start(lax.rem(b + nd, NB), bufs[k], sems[k])
            return carry
        lax.fori_loop(0, NB // nd, eb, 0)
        for k in range(nd):
            drain(bufs[k], sems[k])

        plsc.subcore_barrier()

        pltpu.sync_copy(agg_sh.at[pl.ds(s * RPT, RPT)],
                        out_hbm.at[c, pl.ds(s * RPT, RPT)])

    return functools.partial(
        pl.kernel,
        out_type=jax.ShapeDtypeStruct((NC, N, dh), jnp.float32),
        mesh=plsc.VectorSubcoreMesh(core_axis_name="c",
                                    subcore_axis_name="s"),
        scratch_types=[
            pltpu.VMEM((NB, BLK), jnp.int32),
            pltpu.VMEM((NB, BLK), jnp.int32),
            pltpu.VMEM((BLK, dh), jnp.float32),
            pltpu.VMEM((BLK, dh), jnp.float32),
            pltpu.VMEM((BLK, dh), jnp.float32),
            pltpu.VMEM((BLK, dh), jnp.float32),
            pltpu.VMEM_SHARED((NA, dh), jnp.float32),
            pltpu.SemaphoreType.DMA,
            pltpu.SemaphoreType.DMA,
            pltpu.SemaphoreType.DMA,
            pltpu.SemaphoreType.DMA,
        ],
        compiler_params=pltpu.CompilerParams(use_tc_tiling_on_sc=False),
    )(body)


_sc_agg = _make_sc_agg(DH)
DH1 = D // 2
_sc_agg1 = _make_sc_agg(DH1)


R = 2000


def _dense_block(hl, hr, al, ar, ws_ref, wn_ref, b_ref):
    h = jnp.concatenate([hl, hr], axis=1)[:, :D]
    a = jnp.concatenate([al, ar], axis=1)
    deg = jnp.maximum(a[:, D:D + 1], 1.0)
    agg = a[:, :D] / deg
    z = (jnp.dot(h, ws_ref[...], preferred_element_type=jnp.float32)
         + jnp.dot(agg, wn_ref[...], preferred_element_type=jnp.float32)
         + b_ref[...])
    return jnp.maximum(z, 0.0)


def _tc_layer_body(hl_ref, hr_ref, al_ref, ar_ref, ws_ref, wn_ref, b_ref,
                   out_ref):
    z = _dense_block(hl_ref[0], hr_ref[0], al_ref[0], ar_ref[0],
                     ws_ref, wn_ref, b_ref)
    out_ref[...] = z.reshape(R, 2, DH1).swapaxes(0, 1)


def _tc_layer(table, agg, ws, wn, b):
    return pl.pallas_call(
        _tc_layer_body,
        grid=(N // R,),
        in_specs=[
            pl.BlockSpec((1, R, DH), lambda i: (0, i, 0)),
            pl.BlockSpec((1, R, DH), lambda i: (1, i, 0)),
            pl.BlockSpec((1, R, DH), lambda i: (0, i, 0)),
            pl.BlockSpec((1, R, DH), lambda i: (1, i, 0)),
            pl.BlockSpec((D, H), lambda i: (0, 0)),
            pl.BlockSpec((D, H), lambda i: (0, 0)),
            pl.BlockSpec((1, H), lambda i: (0, 0)),
        ],
        out_specs=pl.BlockSpec((2, R, DH1), lambda i: (0, i, 0)),
        out_shape=jax.ShapeDtypeStruct((2, N, DH1), jnp.float32),
    )(table, table, agg, agg, ws, wn, b.reshape(1, H))


def _tc_final_body(hl_ref, hr_ref, al_ref, ar_ref, adeg_ref,
                   ws_ref, wn_ref, b_ref,
                   wp_ref, bp_ref, score_ref, pls_ref, acc_ref):
    i = pl.program_id(0)
    h = jnp.concatenate([hl_ref[0], hr_ref[0]], axis=1)
    a = jnp.concatenate([al_ref[0], ar_ref[0]], axis=1)
    deg = jnp.maximum(adeg_ref[0][:, D - DH:D - DH + 1], 1.0)
    agg = a / deg
    z = (jnp.dot(h, ws_ref[...], preferred_element_type=jnp.float32)
         + jnp.dot(agg, wn_ref[...], preferred_element_type=jnp.float32)
         + b_ref[...])
    z = jnp.maximum(z, 0.0)
    csum = jnp.sum(z, axis=0, keepdims=True)

    @pl.when(i == 0)
    def _():
        acc_ref[...] = csum

    @pl.when(i > 0)
    def _():
        acc_ref[...] = acc_ref[...] + csum

    @pl.when(i == pl.num_programs(0) - 1)
    def _():
        pls = acc_ref[...] * (1.0 / N)
        pls_ref[...] = pls
        score_ref[...] = (jnp.dot(pls, wp_ref[...],
                                  preferred_element_type=jnp.float32)
                          + bp_ref[...])


def _tc_final(table, agg, agg0, ws, wn, b, wp, bp):
    return pl.pallas_call(
        _tc_final_body,
        grid=(N // R,),
        in_specs=[
            pl.BlockSpec((1, R, DH1), lambda i: (0, i, 0)),
            pl.BlockSpec((1, R, DH1), lambda i: (1, i, 0)),
            pl.BlockSpec((1, R, DH1), lambda i: (0, i, 0)),
            pl.BlockSpec((1, R, DH1), lambda i: (1, i, 0)),
            pl.BlockSpec((1, R, DH), lambda i: (1, i, 0)),
            pl.BlockSpec((D, H), lambda i: (0, 0)),
            pl.BlockSpec((D, H), lambda i: (0, 0)),
            pl.BlockSpec((1, H), lambda i: (0, 0)),
            pl.BlockSpec((H, C), lambda i: (0, 0)),
            pl.BlockSpec((1, C), lambda i: (0, 0)),
        ],
        out_specs=[
            pl.BlockSpec((1, C), lambda i: (0, 0)),
            pl.BlockSpec((1, H), lambda i: (0, 0)),
        ],
        out_shape=[
            jax.ShapeDtypeStruct((1, C), jnp.float32),
            jax.ShapeDtypeStruct((1, H), jnp.float32),
        ],
        scratch_shapes=[pltpu.VMEM((1, H), jnp.float32)],
    )(table, table, agg, agg, agg0, ws, wn, b.reshape(1, H), wp,
      bp.reshape(1, C))


def kernel(inputs, edge_index, W_self0, W_neigh0, b0,
           W_self1, W_neigh1, b1, W_pred, b_pred):
    pad = jnp.tile(
        (jnp.arange(DP - D, dtype=jnp.int32) == 0).astype(jnp.float32)[None],
        (N, 1))
    table0 = jnp.stack([inputs[:, :DH],
                        jnp.concatenate([inputs[:, DH:], pad], axis=1)])
    dummy = jnp.arange(EPAD - E, dtype=jnp.int32)
    src = jnp.concatenate(
        [edge_index[0], dummy % N]).reshape(NS, NB, BLK)
    src2 = jnp.stack([src, src + N])
    dst3 = jnp.concatenate(
        [edge_index[1], N + dummy % (NA - N)]).reshape(NS, NB, BLK)

    agg0 = _sc_agg(table0.reshape(NC * N, DH), src2, dst3)
    table1 = _tc_layer(table0, agg0, W_self0, W_neigh0, b0)
    agg1 = _sc_agg1(table1.reshape(NC * N, DH1), src2, dst3)
    score, pls = _tc_final(table1, agg1, agg0, W_self1, W_neigh1, b1,
                           W_pred, b_pred)
    return (score, pls)

# --- scband reference (transcript-rebuilt; emitter-appended) ---
"""Pipeline reference for scband-graph-sage-25159918420563 (READ-ONLY COPY).

The authoritative reference and input builder live on the scoring server;
editing this copy changes nothing except your own understanding.
"""

import jax, jax.numpy as jnp
import numpy as np

N = 10000
E = 320000
D = 128
H = 128
C = 40


def setup_inputs(seed: int = 0) -> dict:
    key = jax.random.key(seed)
    ks = jax.random.split(key, 12)
    inputs = jax.random.normal(ks[0], (N, D), dtype=jnp.float32)
    edge_index = jax.random.randint(ks[1], (2, E), 0, N, dtype=jnp.int32)
    s_in = 1.0 / np.sqrt(D)
    s_h = 1.0 / np.sqrt(H)
    W_self0 = jax.random.normal(ks[2], (D, H), dtype=jnp.float32) * s_in
    W_neigh0 = jax.random.normal(ks[3], (D, H), dtype=jnp.float32) * s_in
    b0 = jnp.zeros((H,), dtype=jnp.float32)
    W_self1 = jax.random.normal(ks[4], (H, H), dtype=jnp.float32) * s_h
    W_neigh1 = jax.random.normal(ks[5], (H, H), dtype=jnp.float32) * s_h
    b1 = jnp.zeros((H,), dtype=jnp.float32)
    W_pred = jax.random.normal(ks[6], (H, C), dtype=jnp.float32) * s_h
    b_pred = jnp.zeros((C,), dtype=jnp.float32)
    return {
        "inputs": inputs,
        "edge_index": edge_index,
        "W_self0": W_self0,
        "W_neigh0": W_neigh0,
        "b0": b0,
        "W_self1": W_self1,
        "W_neigh1": W_neigh1,
        "b1": b1,
        "W_pred": W_pred,
        "b_pred": b_pred,
    }


def reference(inputs, edge_index, W_self0, W_neigh0, b0, W_self1, W_neigh1, b1, W_pred, b_pred):
    # GraphSAGE with mean aggregator (DGL SAGEConv semantics, dropout=0):
    #   h_neigh = mean_{u in N(v)} h_u ; h' = act(h @ W_self + h_neigh @ W_neigh + b)
    src = edge_index[0]
    dst = edge_index[1]
    deg = jax.ops.segment_sum(jnp.ones((E,), dtype=jnp.float32), dst, num_segments=N)
    deg = jnp.clip(deg, 1.0, None)[:, None]
    h = inputs
    for (Ws, Wn, b) in ((W_self0, W_neigh0, b0), (W_self1, W_neigh1, b1)):
        msg = jnp.take(h, src, axis=0)              # gather along edges
        agg = jax.ops.segment_sum(msg, dst, num_segments=N) / deg  # scatter-add mean
        h = jax.nn.relu(h @ Ws + agg @ Wn + b)
    # AvgPooling over the single graph (mean over all nodes)
    pls = jnp.mean(h, axis=0, keepdims=True)        # [1, H]
    score_over_layer = pls @ W_pred + b_pred        # [1, C]
    return (score_over_layer, pls)

if __name__ == "__main__":
    import jax
    _d = setup_inputs()
    print(jax.jit(kernel)(*tuple(_d.values())))

</pallas_src>

<mosaic_0001>
#map = affine_map<(d0, d1) -> (0, 0)>
#map1 = affine_map<(d0, d1) -> (0, 0, 0, 0)>
#map2 = affine_map<(d0, d1) -> (0, 0, 0)>
module attributes {stable_mosaic.version = 14 : i64} {
  func.func @body(%arg0: i32, %arg1: i32, %arg2: memref<20000x64xf32, #tpu.memory_space<hbm>>, %arg3: memref<2x16x160x128xi32, #tpu.memory_space<hbm>>, %arg4: memref<16x160x128xi32, #tpu.memory_space<hbm>>, %arg5: memref<2x10000x64xf32, #tpu.memory_space<hbm>>, %arg6: memref<160x128xi32, #tpu.memory_space<vmem>>, %arg7: memref<160x128xi32, #tpu.memory_space<vmem>>, %arg8: memref<128x64xf32, #tpu.memory_space<vmem>>, %arg9: memref<128x64xf32, #tpu.memory_space<vmem>>, %arg10: memref<128x64xf32, #tpu.memory_space<vmem>>, %arg11: memref<128x64xf32, #tpu.memory_space<vmem>>, %arg12: memref<10128x64xf32, #tpu.memory_space<vmem_shared>>, %arg13: memref<!tpu.dma_semaphore, #tpu.memory_space<semaphore_mem>>, %arg14: memref<!tpu.dma_semaphore, #tpu.memory_space<semaphore_mem>>, %arg15: memref<!tpu.dma_semaphore, #tpu.memory_space<semaphore_mem>>, %arg16: memref<!tpu.dma_semaphore, #tpu.memory_space<semaphore_mem>>) attributes {dimension_semantics = [#tpu.dimension_semantics<core_parallel>, #tpu.dimension_semantics<subcore_parallel>], iteration_bounds = array<i64: 2, 16>, scalar_prefetch = 0 : i64, scratch_operands = 11 : i64, tpu.core_type = #tpu.core_type<sc_vector_subcore>, window_params = [{transform_indices = #map}, {transform_indices = #map1}, {transform_indices = #map2}, {transform_indices = #map2}]} {
    %scan3A = arith.constant 0 : i32
    %scan3A_0 = arith.constant 0 : i32
    %scan3A_1 = arith.constant 128 : i32
    %scan3A_2 = arith.addi %scan3A_0, %scan3A_1 : i32
    %scan3A_3 = arith.constant 1 : i32
    scf.for %scan3A_85 = %scan3A_0 to %scan3A_2 step %scan3A_3  : i32 {
      %broadcast_in_dim3A = arith.constant 0.000000e+00 : f32
      %broadcast_in_dim3A_86 = vector.broadcast %broadcast_in_dim3A : f32 to vector<16xf32>
      %swap3A = arith.index_cast %scan3A_85 : i32 to index
      %swap3A_87 = arith.constant 0 : index
      %swap3A_88 = tpu.vector_load %arg8[%swap3A, %swap3A_87] {strides = array<i32>} : memref<128x64xf32, #tpu.memory_space<vmem>>, vector<1x16xf32>,
      %swap3A_89 = vector.shape_cast %swap3A_88 : vector<1x16xf32> to vector<16xf32>
      %swap3A_90 = vector.shape_cast %broadcast_in_dim3A_86 : vector<16xf32> to vector<1x16xf32>
      tpu.vector_store %arg8[%swap3A, %swap3A_87], %swap3A_90 {strides = array<i32>} : memref<128x64xf32, #tpu.memory_space<vmem>>, vector<1x16xf32>,
      %broadcast_in_dim3A_91 = arith.constant 0.000000e+00 : f32
      %broadcast_in_dim3A_92 = vector.broadcast %broadcast_in_dim3A_91 : f32 to vector<16xf32>
      %swap3A_93 = arith.index_cast %scan3A_85 : i32 to index
      %swap3A_94 = arith.constant 16 : index
      %swap3A_95 = tpu.vector_load %arg8[%swap3A_93, %swap3A_94] {strides = array<i32>} : memref<128x64xf32, #tpu.memory_space<vmem>>, vector<1x16xf32>,
      %swap3A_96 = vector.shape_cast %swap3A_95 : vector<1x16xf32> to vector<16xf32>
      %swap3A_97 = vector.shape_cast %broadcast_in_dim3A_92 : vector<16xf32> to vector<1x16xf32>
      tpu.vector_store %arg8[%swap3A_93, %swap3A_94], %swap3A_97 {strides = array<i32>} : memref<128x64xf32, #tpu.memory_space<vmem>>, vector<1x16xf32>,
      %broadcast_in_dim3A_98 = arith.constant 0.000000e+00 : f32
      %broadcast_in_dim3A_99 = vector.broadcast %broadcast_in_dim3A_98 : f32 to vector<16xf32>
      %swap3A_100 = arith.index_cast %scan3A_85 : i32 to index
      %swap3A_101 = arith.constant 32 : index
      %swap3A_102 = tpu.vector_load %arg8[%swap3A_100, %swap3A_101] {strides = array<i32>} : memref<128x64xf32, #tpu.memory_space<vmem>>, vector<1x16xf32>,
      %swap3A_103 = vector.shape_cast %swap3A_102 : vector<1x16xf32> to vector<16xf32>
      %swap3A_104 = vector.shape_cast %broadcast_in_dim3A_99 : vector<16xf32> to vector<1x16xf32>
      tpu.vector_store %arg8[%swap3A_100, %swap3A_101], %swap3A_104 {strides = array<i32>} : memref<128x64xf32, #tpu.memory_space<vmem>>, vector<1x16xf32>,
      %broadcast_in_dim3A_105 = arith.constant 0.000000e+00 : f32
      %broadcast_in_dim3A_106 = vector.broadcast %broadcast_in_dim3A_105 : f32 to vector<16xf32>
      %swap3A_107 = arith.index_cast %scan3A_85 : i32 to index
      %swap3A_108 = arith.constant 48 : index
      %swap3A_109 = tpu.vector_load %arg8[%swap3A_107, %swap3A_108] {strides = array<i32>} : memref<128x64xf32, #tpu.memory_space<vmem>>, vector<1x16xf32>,
      %swap3A_110 = vector.shape_cast %swap3A_109 : vector<1x16xf32> to vector<16xf32>
      %swap3A_111 = vector.shape_cast %broadcast_in_dim3A_106 : vector<16xf32> to vector<1x16xf32>
      tpu.vector_store %arg8[%swap3A_107, %swap3A_108], %swap3A_111 {strides = array<i32>} : memref<128x64xf32, #tpu.memory_space<vmem>>, vector<1x16xf32>,
    }
    %scan3A_4 = arith.constant 128 : i32
    %mul3A = arith.constant 633 : i32
    %mul3A_5 = arith.muli %arg1, %mul3A : i32
    %add3A = arith.constant 0 : i32
    %add3A_6 = arith.addi %mul3A_5, %add3A : i32
    "tpu.region"() ({
      %run_scoped3A = tpu.sem_alloc : memref<!tpu.dma_semaphore, #tpu.memory_space<semaphore_mem>>
      %dma_start3A_85 = arith.constant 0 : i32
      %dma_start3A_86 = tpu.memref_slice %arg12[%add3A_6, %dma_start3A_85] : memref<10128x64xf32, #tpu.memory_space<vmem_shared>> -> memref<128x64xf32, #tpu.memory_space<vmem_shared>>
      %dma_start3A_87 = arith.constant 0 : i32
      %dma_start3A_88 = tpu.memref_slice %arg12[%add3A_6, %dma_start3A_87] : memref<10128x64xf32, #tpu.memory_space<vmem_shared>> -> memref<128x64xf32, #tpu.memory_space<vmem_shared>>
      tpu.enqueue_dma source(%arg8 : memref<128x64xf32, #tpu.memory_space<vmem>>) target(%dma_start3A_88 : memref<128x64xf32, #tpu.memory_space<vmem_shared>>) target_semaphore(%run_scoped3A : memref<!tpu.dma_semaphore, #tpu.memory_space<semaphore_mem>>)
      %dma_wait3A_89 = arith.constant 0 : i32
      %dma_wait3A_90 = tpu.memref_slice %arg12[%add3A_6, %dma_wait3A_89] : memref<10128x64xf32, #tpu.memory_space<vmem_shared>> -> memref<128x64xf32, #tpu.memory_space<vmem_shared>>
      %dma_wait3A_91 = arith.constant 0 : i32
      %dma_wait3A_92 = tpu.memref_slice %arg12[%add3A_6, %dma_wait3A_91] : memref<10128x64xf32, #tpu.memory_space<vmem_shared>> -> memref<128x64xf32, #tpu.memory_space<vmem_shared>>
      tpu.wait_dma2 semaphore(%run_scoped3A : memref<!tpu.dma_semaphore, #tpu.memory_space<semaphore_mem>>) src(%arg8 : memref<128x64xf32, #tpu.memory_space<vmem>>) dst(%dma_wait3A_92 : memref<128x64xf32, #tpu.memory_space<vmem_shared>>)
      tpu.yield
    }) : () -> ()
    %mul3A_7 = arith.constant 633 : i32
    %mul3A_8 = arith.muli %arg1, %mul3A_7 : i32
    %add3A_9 = arith.constant 128 : i32
    %add3A_10 = arith.addi %mul3A_8, %add3A_9 : i32
    "tpu.region"() ({
      %run_scoped3A = tpu.sem_alloc : memref<!tpu.dma_semaphore, #tpu.memory_space<semaphore_mem>>
      %dma_start3A_85 = arith.constant 0 : i32
      %dma_start3A_86 = tpu.memref_slice %arg12[%add3A_10, %dma_start3A_85] : memref<10128x64xf32, #tpu.memory_space<vmem_shared>> -> memref<128x64xf32, #tpu.memory_space<vmem_shared>>
      %dma_start3A_87 = arith.constant 0 : i32
      %dma_start3A_88 = tpu.memref_slice %arg12[%add3A_10, %dma_start3A_87] : memref<10128x64xf32, #tpu.memory_space<vmem_shared>> -> memref<128x64xf32, #tpu.memory_space<vmem_shared>>
      tpu.enqueue_dma source(%arg8 : memref<128x64xf32, #tpu.memory_space<vmem>>) target(%dma_start3A_88 : memref<128x64xf32, #tpu.memory_space<vmem_shared>>) target_semaphore(%run_scoped3A : memref<!tpu.dma_semaphore, #tpu.memory_space<semaphore_mem>>)
      %dma_wait3A_89 = arith.constant 0 : i32
      %dma_wait3A_90 = tpu.memref_slice %arg12[%add3A_10, %dma_wait3A_89] : memref<10128x64xf32, #tpu.memory_space<vmem_shared>> -> memref<128x64xf32, #tpu.memory_space<vmem_shared>>
      %dma_wait3A_91 = arith.constant 0 : i32
      %dma_wait3A_92 = tpu.memref_slice %arg12[%add3A_10, %dma_wait3A_91] : memref<10128x64xf32, #tpu.memory_space<vmem_shared>> -> memref<128x64xf32, #tpu.memory_space<vmem_shared>>
      tpu.wait_dma2 semaphore(%run_scoped3A : memref<!tpu.dma_semaphore, #tpu.memory_space<semaphore_mem>>) src(%arg8 : memref<128x64xf32, #tpu.memory_space<vmem>>) dst(%dma_wait3A_92 : memref<128x64xf32, #tpu.memory_space<vmem_shared>>)
      tpu.yield
    }) : () -> ()
    %mul3A_11 = arith.constant 633 : i32
    %mul3A_12 = arith.muli %arg1, %mul3A_11 : i32
    %add3A_13 = arith.constant 256 : i32
    %add3A_14 = arith.addi %mul3A_12, %add3A_13 : i32
    "tpu.region"() ({
      %run_scoped3A = tpu.sem_alloc : memref<!tpu.dma_semaphore, #tpu.memory_space<semaphore_mem>>
      %dma_start3A_85 = arith.constant 0 : i32
      %dma_start3A_86 = tpu.memref_slice %arg12[%add3A_14, %dma_start3A_85] : memref<10128x64xf32, #tpu.memory_space<vmem_shared>> -> memref<128x64xf32, #tpu.memory_space<vmem_shared>>
      %dma_start3A_87 = arith.constant 0 : i32
      %dma_start3A_88 = tpu.memref_slice %arg12[%add3A_14, %dma_start3A_87] : memref<10128x64xf32, #tpu.memory_space<vmem_shared>> -> memref<128x64xf32, #tpu.memory_space<vmem_shared>>
      tpu.enqueue_dma source(%arg8 : memref<128x64xf32, #tpu.memory_space<vmem>>) target(%dma_start3A_88 : memref<128x64xf32, #tpu.memory_space<vmem_shared>>) target_semaphore(%run_scoped3A : memref<!tpu.dma_semaphore, #tpu.memory_space<semaphore_mem>>)
      %dma_wait3A_89 = arith.constant 0 : i32
      %dma_wait3A_90 = tpu.memref_slice %arg12[%add3A_14, %dma_wait3A_89] : memref<10128x64xf32, #tpu.memory_space<vmem_shared>> -> memref<128x64xf32, #tpu.memory_space<vmem_shared>>
      %dma_wait3A_91 = arith.constant 0 : i32
      %dma_wait3A_92 = tpu.memref_slice %arg12[%add3A_14, %dma_wait3A_91] : memref<10128x64xf32, #tpu.memory_space<vmem_shared>> -> memref<128x64xf32, #tpu.memory_space<vmem_shared>>
      tpu.wait_dma2 semaphore(%run_scoped3A : memref<!tpu.dma_semaphore, #tpu.memory_space<semaphore_mem>>) src(%arg8 : memref<128x64xf32, #tpu.memory_space<vmem>>) dst(%dma_wait3A_92 : memref<128x64xf32, #tpu.memory_space<vmem_shared>>)
      tpu.yield
    }) : () -> ()
    %mul3A_15 = arith.constant 633 : i32
    %mul3A_16 = arith.muli %arg1, %mul3A_15 : i32
    %add3A_17 = arith.constant 384 : i32
    %add3A_18 = arith.addi %mul3A_16, %add3A_17 : i32
    "tpu.region"() ({
      %run_scoped3A = tpu.sem_alloc : memref<!tpu.dma_semaphore, #tpu.memory_space<semaphore_mem>>
      %dma_start3A_85 = arith.constant 0 : i32
      %dma_start3A_86 = tpu.memref_slice %arg12[%add3A_18, %dma_start3A_85] : memref<10128x64xf32, #tpu.memory_space<vmem_shared>> -> memref<128x64xf32, #tpu.memory_space<vmem_shared>>
      %dma_start3A_87 = arith.constant 0 : i32
      %dma_start3A_88 = tpu.memref_slice %arg12[%add3A_18, %dma_start3A_87] : memref<10128x64xf32, #tpu.memory_space<vmem_shared>> -> memref<128x64xf32, #tpu.memory_space<vmem_shared>>
      tpu.enqueue_dma source(%arg8 : memref<128x64xf32, #tpu.memory_space<vmem>>) target(%dma_start3A_88 : memref<128x64xf32, #tpu.memory_space<vmem_shared>>) target_semaphore(%run_scoped3A : memref<!tpu.dma_semaphore, #tpu.memory_space<semaphore_mem>>)
      %dma_wait3A_89 = arith.constant 0 : i32
      %dma_wait3A_90 = tpu.memref_slice %arg12[%add3A_18, %dma_wait3A_89] : memref<10128x64xf32, #tpu.memory_space<vmem_shared>> -> memref<128x64xf32, #tpu.memory_space<vmem_shared>>
      %dma_wait3A_91 = arith.constant 0 : i32
      %dma_wait3A_92 = tpu.memref_slice %arg12[%add3A_18, %dma_wait3A_91] : memref<10128x64xf32, #tpu.memory_space<vmem_shared>> -> memref<128x64xf32, #tpu.memory_space<vmem_shared>>
      tpu.wait_dma2 semaphore(%run_scoped3A : memref<!tpu.dma_semaphore, #tpu.memory_space<semaphore_mem>>) src(%arg8 : memref<128x64xf32, #tpu.memory_space<vmem>>) dst(%dma_wait3A_92 : memref<128x64xf32, #tpu.memory_space<vmem_shared>>)
      tpu.yield
    }) : () -> ()
    %mul3A_19 = arith.constant 633 : i32
    %mul3A_20 = arith.muli %arg1, %mul3A_19 : i32
    %add3A_21 = arith.constant 633 : i32
    %add3A_22 = arith.addi %mul3A_20, %add3A_21 : i32
    %sub3A = arith.constant 121 : i32
    %sub3A_23 = arith.subi %add3A_22, %sub3A : i32
    "tpu.region"() ({
      %run_scoped3A = tpu.sem_alloc : memref<!tpu.dma_semaphore, #tpu.memory_space<semaphore_mem>>
      %dma_start3A_85 = arith.constant 0 : i32
      %dma_start3A_86 = arith.constant 0 : i32
      %dma_start3A_87 = tpu.memref_slice %arg8[%dma_start3A_85, %dma_start3A_86] : memref<128x64xf32, #tpu.memory_space<vmem>> -> memref<121x64xf32, #tpu.memory_space<vmem>>
      %dma_start3A_88 = arith.constant 0 : i32
      %dma_start3A_89 = tpu.memref_slice %arg12[%sub3A_23, %dma_start3A_88] : memref<10128x64xf32, #tpu.memory_space<vmem_shared>> -> memref<121x64xf32, #tpu.memory_space<vmem_shared>>
      %dma_start3A_90 = arith.constant 0 : i32
      %dma_start3A_91 = tpu.memref_slice %arg12[%sub3A_23, %dma_start3A_90] : memref<10128x64xf32, #tpu.memory_space<vmem_shared>> -> memref<121x64xf32, #tpu.memory_space<vmem_shared>>
      %dma_start3A_92 = arith.constant 0 : i32
      %dma_start3A_93 = arith.constant 0 : i32
      %dma_start3A_94 = tpu.memref_slice %arg8[%dma_start3A_92, %dma_start3A_93] : memref<128x64xf32, #tpu.memory_space<vmem>> -> memref<121x64xf32, #tpu.memory_space<vmem>>
      tpu.enqueue_dma source(%dma_start3A_94 : memref<121x64xf32, #tpu.memory_space<vmem>>) target(%dma_start3A_91 : memref<121x64xf32, #tpu.memory_space<vmem_shared>>) target_semaphore(%run_scoped3A : memref<!tpu.dma_semaphore, #tpu.memory_space<semaphore_mem>>)
      %dma_wait3A_95 = arith.constant 0 : i32
      %dma_wait3A_96 = arith.constant 0 : i32
      %dma_wait3A_97 = tpu.memref_slice %arg8[%dma_wait3A_95, %dma_wait3A_96] : memref<128x64xf32, #tpu.memory_space<vmem>> -> memref<121x64xf32, #tpu.memory_space<vmem>>
      %dma_wait3A_98 = arith.constant 0 : i32
      %dma_wait3A_99 = tpu.memref_slice %arg12[%sub3A_23, %dma_wait3A_98] : memref<10128x64xf32, #tpu.memory_space<vmem_shared>> -> memref<121x64xf32, #tpu.memory_space<vmem_shared>>
      %dma_wait3A_100 = arith.constant 0 : i32
      %dma_wait3A_101 = tpu.memref_slice %arg12[%sub3A_23, %dma_wait3A_100] : memref<10128x64xf32, #tpu.memory_space<vmem_shared>> -> memref<121x64xf32, #tpu.memory_space<vmem_shared>>
      %dma_wait3A_102 = arith.constant 0 : i32
      %dma_wait3A_103 = arith.constant 0 : i32
      %dma_wait3A_104 = tpu.memref_slice %arg8[%dma_wait3A_102, %dma_wait3A_103] : memref<128x64xf32, #tpu.memory_space<vmem>> -> memref<121x64xf32, #tpu.memory_space<vmem>>
      tpu.wait_dma2 semaphore(%run_scoped3A : memref<!tpu.dma_semaphore, #tpu.memory_space<semaphore_mem>>) src(%dma_wait3A_104 : memref<121x64xf32, #tpu.memory_space<vmem>>) dst(%dma_wait3A_101 : memref<121x64xf32, #tpu.memory_space<vmem_shared>>)
      tpu.yield
    }) : () -> ()
    "tpu.region"() ({
      %run_scoped3A = tpu.sem_alloc : memref<!tpu.dma_semaphore, #tpu.memory_space<semaphore_mem>>
      %dma_start3A_85 = arith.constant 0 : i32
      %dma_start3A_86 = arith.constant 0 : i32
      %dma_start3A_87 = tpu.memref_slice %arg3[%arg0, %arg1, %dma_start3A_85, %dma_start3A_86] : memref<2x16x160x128xi32, #tpu.memory_space<hbm>> -> memref<1x1x160x128xi32, #tpu.memory_space<hbm>>
      %dma_start3A_88 = tpu.memref_squeeze %dma_start3A_87 : memref<1x1x160x128xi32, #tpu.memory_space<hbm>> -> memref<160x128xi32, #tpu.memory_space<hbm>>
      %dma_start3A_89 = arith.constant 0 : i32
      %dma_start3A_90 = arith.constant 0 : i32
      %dma_start3A_91 = tpu.memref_slice %arg3[%arg0, %arg1, %dma_start3A_89, %dma_start3A_90] : memref<2x16x160x128xi32, #tpu.memory_space<hbm>> -> memref<1x1x160x128xi32, #tpu.memory_space<hbm>>
      %dma_start3A_92 = tpu.memref_squeeze %dma_start3A_91 : memref<1x1x160x128xi32, #tpu.memory_space<hbm>> -> memref<160x128xi32, #tpu.memory_space<hbm>>
      tpu.enqueue_dma source(%dma_start3A_92 : memref<160x128xi32, #tpu.memory_space<hbm>>) target(%arg6 : memref<160x128xi32, #tpu.memory_space<vmem>>) target_semaphore(%run_scoped3A : memref<!tpu.dma_semaphore, #tpu.memory_space<semaphore_mem>>)
      %dma_wait3A_93 = arith.constant 0 : i32
      %dma_wait3A_94 = arith.constant 0 : i32
      %dma_wait3A_95 = tpu.memref_slice %arg3[%arg0, %arg1, %dma_wait3A_93, %dma_wait3A_94] : memref<2x16x160x128xi32, #tpu.memory_space<hbm>> -> memref<1x1x160x128xi32, #tpu.memory_space<hbm>>
      %dma_wait3A_96 = tpu.memref_squeeze %dma_wait3A_95 : memref<1x1x160x128xi32, #tpu.memory_space<hbm>> -> memref<160x128xi32, #tpu.memory_space<hbm>>
      %dma_wait3A_97 = arith.constant 0 : i32
      %dma_wait3A_98 = arith.constant 0 : i32
      %dma_wait3A_99 = tpu.memref_slice %arg3[%arg0, %arg1, %dma_wait3A_97, %dma_wait3A_98] : memref<2x16x160x128xi32, #tpu.memory_space<hbm>> -> memref<1x1x160x128xi32, #tpu.memory_space<hbm>>
      %dma_wait3A_100 = tpu.memref_squeeze %dma_wait3A_99 : memref<1x1x160x128xi32, #tpu.memory_space<hbm>> -> memref<160x128xi32, #tpu.memory_space<hbm>>
      tpu.wait_dma2 semaphore(%run_scoped3A : memref<!tpu.dma_semaphore, #tpu.memory_space<semaphore_mem>>) src(%dma_wait3A_100 : memref<160x128xi32, #tpu.memory_space<hbm>>) dst(%arg6 : memref<160x128xi32, #tpu.memory_space<vmem>>)
      tpu.yield
    }) : () -> ()
    "tpu.region"() ({
      %run_scoped3A = tpu.sem_alloc : memref<!tpu.dma_semaphore, #tpu.memory_space<semaphore_mem>>
      %dma_start3A_85 = arith.constant 0 : i32
      %dma_start3A_86 = arith.constant 0 : i32
      %dma_start3A_87 = tpu.memref_slice %arg4[%arg1, %dma_start3A_85, %dma_start3A_86] : memref<16x160x128xi32, #tpu.memory_space<hbm>> -> memref<1x160x128xi32, #tpu.memory_space<hbm>>
      %dma_start3A_88 = tpu.memref_squeeze %dma_start3A_87 : memref<1x160x128xi32, #tpu.memory_space<hbm>> -> memref<160x128xi32, #tpu.memory_space<hbm>>
      %dma_start3A_89 = arith.constant 0 : i32
      %dma_start3A_90 = arith.constant 0 : i32
      %dma_start3A_91 = tpu.memref_slice %arg4[%arg1, %dma_start3A_89, %dma_start3A_90] : memref<16x160x128xi32, #tpu.memory_space<hbm>> -> memref<1x160x128xi32, #tpu.memory_space<hbm>>
      %dma_start3A_92 = tpu.memref_squeeze %dma_start3A_91 : memref<1x160x128xi32, #tpu.memory_space<hbm>> -> memref<160x128xi32, #tpu.memory_space<hbm>>
      tpu.enqueue_dma source(%dma_start3A_92 : memref<160x128xi32, #tpu.memory_space<hbm>>) target(%arg7 : memref<160x128xi32, #tpu.memory_space<vmem>>) target_semaphore(%run_scoped3A : memref<!tpu.dma_semaphore, #tpu.memory_space<semaphore_mem>>)
      %dma_wait3A_93 = arith.constant 0 : i32
      %dma_wait3A_94 = arith.constant 0 : i32
      %dma_wait3A_95 = tpu.memref_slice %arg4[%arg1, %dma_wait3A_93, %dma_wait3A_94] : memref<16x160x128xi32, #tpu.memory_space<hbm>> -> memref<1x160x128xi32, #tpu.memory_space<hbm>>
      %dma_wait3A_96 = tpu.memref_squeeze %dma_wait3A_95 : memref<1x160x128xi32, #tpu.memory_space<hbm>> -> memref<160x128xi32, #tpu.memory_space<hbm>>
      %dma_wait3A_97 = arith.constant 0 : i32
      %dma_wait3A_98 = arith.constant 0 : i32
      %dma_wait3A_99 = tpu.memref_slice %arg4[%arg1, %dma_wait3A_97, %dma_wait3A_98] : memref<16x160x128xi32, #tpu.memory_space<hbm>> -> memref<1x160x128xi32, #tpu.memory_space<hbm>>
      %dma_wait3A_100 = tpu.memref_squeeze %dma_wait3A_99 : memref<1x160x128xi32, #tpu.memory_space<hbm>> -> memref<160x128xi32, #tpu.memory_space<hbm>>
      tpu.wait_dma2 semaphore(%run_scoped3A : memref<!tpu.dma_semaphore, #tpu.memory_space<semaphore_mem>>) src(%dma_wait3A_100 : memref<160x128xi32, #tpu.memory_space<hbm>>) dst(%arg7 : memref<160x128xi32, #tpu.memory_space<vmem>>)
      tpu.yield
    }) : () -> ()
    %barrier3A = arith.constant 0 : index
    tpu.barrier barrier_id(%barrier3A)
    %dma_start3A = arith.constant 0 : i32
    %dma_start3A_24 = arith.constant 0 : i32
    %dma_start3A_25 = tpu.memref_slice %arg6[%dma_start3A, %dma_start3A_24] : memref<160x128xi32, #tpu.memory_space<vmem>> -> memref<1x128xi32, #tpu.memory_space<vmem>>
    %dma_start3A_26 = tpu.memref_squeeze %dma_start3A_25 : memref<1x128xi32, #tpu.memory_space<vmem>> -> memref<128xi32, #tpu.memory_space<vmem>>
    %dma_start3A_27 = arith.constant 0 : i32
    %dma_start3A_28 = arith.constant 0 : i32
    %dma_start3A_29 = tpu.memref_slice %arg2[%dma_start3A_27, %dma_start3A_28] : memref<20000x64xf32, #tpu.memory_space<hbm>> -> memref<20000x64xf32, #tpu.memory_space<hbm>>
    tpu.enqueue_indirect_dma source(%dma_start3A_29 : memref<20000x64xf32, #tpu.memory_space<hbm>>) target(%arg8 : memref<128x64xf32, #tpu.memory_space<vmem>>) offsets(%dma_start3A_26 : memref<128xi32, #tpu.memory_space<vmem>>) semaphore(%arg13 : memref<!tpu.dma_semaphore, #tpu.memory_space<semaphore_mem>>)
    %dma_start3A_30 = arith.constant 1 : i32
    %dma_start3A_31 = arith.constant 0 : i32
    %dma_start3A_32 = tpu.memref_slice %arg6[%dma_start3A_30, %dma_start3A_31] : memref<160x128xi32, #tpu.memory_space<vmem>> -> memref<1x128xi32, #tpu.memory_space<vmem>>
    %dma_start3A_33 = tpu.memref_squeeze %dma_start3A_32 : memref<1x128xi32, #tpu.memory_space<vmem>> -> memref<128xi32, #tpu.memory_space<vmem>>
    %dma_start3A_34 = arith.constant 0 : i32
    %dma_start3A_35 = arith.constant 0 : i32
    %dma_start3A_36 = tpu.memref_slice %arg2[%dma_start3A_34, %dma_start3A_35] : memref<20000x64xf32, #tpu.memory_space<hbm>> -> memref<20000x64xf32, #tpu.memory_space<hbm>>
    tpu.enqueue_indirect_dma source(%dma_start3A_36 : memref<20000x64xf32, #tpu.memory_space<hbm>>) target(%arg9 : memref<128x64xf32, #tpu.memory_space<vmem>>) offsets(%dma_start3A_33 : memref<128xi32, #tpu.memory_space<vmem>>) semaphore(%arg14 : memref<!tpu.dma_semaphore, #tpu.memory_space<semaphore_mem>>)
    %dma_start3A_37 = arith.constant 2 : i32
    %dma_start3A_38 = arith.constant 0 : i32
    %dma_start3A_39 = tpu.memref_slice %arg6[%dma_start3A_37, %dma_start3A_38] : memref<160x128xi32, #tpu.memory_space<vmem>> -> memref<1x128xi32, #tpu.memory_space<vmem>>
    %dma_start3A_40 = tpu.memref_squeeze %dma_start3A_39 : memref<1x128xi32, #tpu.memory_space<vmem>> -> memref<128xi32, #tpu.memory_space<vmem>>
    %dma_start3A_41 = arith.constant 0 : i32
    %dma_start3A_42 = arith.constant 0 : i32
    %dma_start3A_43 = tpu.memref_slice %arg2[%dma_start3A_41, %dma_start3A_42] : memref<20000x64xf32, #tpu.memory_space<hbm>> -> memref<20000x64xf32, #tpu.memory_space<hbm>>
    tpu.enqueue_indirect_dma source(%dma_start3A_43 : memref<20000x64xf32, #tpu.memory_space<hbm>>) target(%arg10 : memref<128x64xf32, #tpu.memory_space<vmem>>) offsets(%dma_start3A_40 : memref<128xi32, #tpu.memory_space<vmem>>) semaphore(%arg15 : memref<!tpu.dma_semaphore, #tpu.memory_space<semaphore_mem>>)
    %dma_start3A_44 = arith.constant 3 : i32
    %dma_start3A_45 = arith.constant 0 : i32
    %dma_start3A_46 = tpu.memref_slice %arg6[%dma_start3A_44, %dma_start3A_45] : memref<160x128xi32, #tpu.memory_space<vmem>> -> memref<1x128xi32, #tpu.memory_space<vmem>>
    %dma_start3A_47 = tpu.memref_squeeze %dma_start3A_46 : memref<1x128xi32, #tpu.memory_space<vmem>> -> memref<128xi32, #tpu.memory_space<vmem>>
    %dma_start3A_48 = arith.constant 0 : i32
    %dma_start3A_49 = arith.constant 0 : i32
    %dma_start3A_50 = tpu.memref_slice %arg2[%dma_start3A_48, %dma_start3A_49] : memref<20000x64xf32, #tpu.memory_space<hbm>> -> memref<20000x64xf32, #tpu.memory_space<hbm>>
    tpu.enqueue_indirect_dma source(%dma_start3A_50 : memref<20000x64xf32, #tpu.memory_space<hbm>>) target(%arg11 : memref<128x64xf32, #tpu.memory_space<vmem>>) offsets(%dma_start3A_47 : memref<128xi32, #tpu.memory_space<vmem>>) semaphore(%arg16 : memref<!tpu.dma_semaphore, #tpu.memory_space<semaphore_mem>>)
    %scan3A_51 = arith.constant 0 : i32
    %scan3A_52 = arith.constant 0 : i32
    %scan3A_53 = arith.constant 40 : i32
    %scan3A_54 = arith.addi %scan3A_52, %scan3A_53 : i32
    %scan3A_55 = arith.constant 1 : i32
    scf.for %scan3A_85 = %scan3A_52 to %scan3A_54 step %scan3A_55  : i32 {
      %mul3A_86 = arith.constant 4 : i32
      %mul3A_87 = arith.muli %mul3A_86, %scan3A_85 : i32
      %add3A_88 = arith.constant 0 : i32
      %add3A_89 = arith.addi %mul3A_87, %add3A_88 : i32
      %dma_wait3A_90 = arith.constant 0 : i32
      %dma_wait3A_91 = arith.constant 0 : i32
      %dma_wait3A_92 = tpu.memref_slice %arg2[%dma_wait3A_90, %dma_wait3A_91] : memref<20000x64xf32, #tpu.memory_space<hbm>> -> memref<128x64xf32, #tpu.memory_space<hbm>>
      %dma_wait3A_93 = arith.constant 0 : i32
      %dma_wait3A_94 = arith.constant 0 : i32
      %dma_wait3A_95 = tpu.memref_slice %arg2[%dma_wait3A_93, %dma_wait3A_94] : memref<20000x64xf32, #tpu.memory_space<hbm>> -> memref<128x64xf32, #tpu.memory_space<hbm>>
      tpu.wait_dma2 semaphore(%arg13 : memref<!tpu.dma_semaphore, #tpu.memory_space<semaphore_mem>>) src(%dma_wait3A_95 : memref<128x64xf32, #tpu.memory_space<hbm>>) dst(%arg8 : memref<128x64xf32, #tpu.memory_space<vmem>>)
      "tpu.region"() ({
        %run_scoped3A = tpu.sem_alloc : memref<!tpu.dma_semaphore, #tpu.memory_space<semaphore_mem>>
        %dma_start3A_165 = arith.constant 0 : i32
        %dma_start3A_166 = tpu.memref_slice %arg7[%add3A_89, %dma_start3A_165] : memref<160x128xi32, #tpu.memory_space<vmem>> -> memref<1x128xi32, #tpu.memory_space<vmem>>
        %dma_start3A_167 = tpu.memref_squeeze %dma_start3A_166 : memref<1x128xi32, #tpu.memory_space<vmem>> -> memref<128xi32, #tpu.memory_space<vmem>>
        %dma_start3A_168 = arith.constant 0 : i32
        %dma_start3A_169 = arith.constant 0 : i32
        %dma_start3A_170 = tpu.memref_slice %arg12[%dma_start3A_168, %dma_start3A_169] : memref<10128x64xf32, #tpu.memory_space<vmem_shared>> -> memref<10128x64xf32, #tpu.memory_space<vmem_shared>>
        tpu.enqueue_indirect_dma source(%arg8 : memref<128x64xf32, #tpu.memory_space<vmem>>) target(%dma_start3A_170 : memref<10128x64xf32, #tpu.memory_space<vmem_shared>>) offsets(%dma_start3A_167 : memref<128xi32, #tpu.memory_space<vmem>>) semaphore(%run_scoped3A : memref<!tpu.dma_semaphore, #tpu.memory_space<semaphore_mem>>) {add = true}
        %dma_wait3A_171 = arith.constant 0 : i32
        %dma_wait3A_172 = tpu.memref_slice %arg7[%add3A_89, %dma_wait3A_171] : memref<160x128xi32, #tpu.memory_space<vmem>> -> memref<1x128xi32, #tpu.memory_space<vmem>>
        %dma_wait3A_173 = tpu.memref_squeeze %dma_wait3A_172 : memref<1x128xi32, #tpu.memory_space<vmem>> -> memref<128xi32, #tpu.memory_space<vmem>>
        %dma_wait3A_174 = arith.constant 0 : i32
        %dma_wait3A_175 = arith.constant 0 : i32
        %dma_wait3A_176 = tpu.memref_slice %arg12[%dma_wait3A_174, %dma_wait3A_175] : memref<10128x64xf32, #tpu.memory_space<vmem_shared>> -> memref<10128x64xf32, #tpu.memory_space<vmem_shared>>
        tpu.wait_indirect_dma semaphore(%run_scoped3A : memref<!tpu.dma_semaphore, #tpu.memory_space<semaphore_mem>>) src(%arg8 : memref<128x64xf32, #tpu.memory_space<vmem>>) dst(%dma_wait3A_176 : memref<10128x64xf32, #tpu.memory_space<vmem_shared>>)
        tpu.yield
      }) : () -> ()
      %add3A_96 = arith.constant 4 : i32
      %add3A_97 = arith.addi %add3A_89, %add3A_96 : i32
      %rem3A = arith.constant 160 : i32
      %rem3A_98 = arith.remsi %add3A_97, %rem3A : i32
      %dma_start3A_99 = arith.constant 0 : i32
      %dma_start3A_100 = tpu.memref_slice %arg6[%rem3A_98, %dma_start3A_99] : memref<160x128xi32, #tpu.memory_space<vmem>> -> memref<1x128xi32, #tpu.memory_space<vmem>>
      %dma_start3A_101 = tpu.memref_squeeze %dma_start3A_100 : memref<1x128xi32, #tpu.memory_space<vmem>> -> memref<128xi32, #tpu.memory_space<vmem>>
      %dma_start3A_102 = arith.constant 0 : i32
      %dma_start3A_103 = arith.constant 0 : i32
      %dma_start3A_104 = tpu.memref_slice %arg2[%dma_start3A_102, %dma_start3A_103] : memref<20000x64xf32, #tpu.memory_space<hbm>> -> memref<20000x64xf32, #tpu.memory_space<hbm>>
      tpu.enqueue_indirect_dma source(%dma_start3A_104 : memref<20000x64xf32, #tpu.memory_space<hbm>>) target(%arg8 : memref<128x64xf32, #tpu.memory_space<vmem>>) offsets(%dma_start3A_101 : memref<128xi32, #tpu.memory_space<vmem>>) semaphore(%arg13 : memref<!tpu.dma_semaphore, #tpu.memory_space<semaphore_mem>>)
      %mul3A_105 = arith.constant 4 : i32
      %mul3A_106 = arith.muli %mul3A_105, %scan3A_85 : i32
      %add3A_107 = arith.constant 1 : i32
      %add3A_108 = arith.addi %mul3A_106, %add3A_107 : i32
      %dma_wait3A_109 = arith.constant 0 : i32
      %dma_wait3A_110 = arith.constant 0 : i32
      %dma_wait3A_111 = tpu.memref_slice %arg2[%dma_wait3A_109, %dma_wait3A_110] : memref<20000x64xf32, #tpu.memory_space<hbm>> -> memref<128x64xf32, #tpu.memory_space<hbm>>
      %dma_wait3A_112 = arith.constant 0 : i32
      %dma_wait3A_113 = arith.constant 0 : i32
      %dma_wait3A_114 = tpu.memref_slice %arg2[%dma_wait3A_112, %dma_wait3A_113] : memref<20000x64xf32, #tpu.memory_space<hbm>> -> memref<128x64xf32, #tpu.memory_space<hbm>>
      tpu.wait_dma2 semaphore(%arg14 : memref<!tpu.dma_semaphore, #tpu.memory_space<semaphore_mem>>) src(%dma_wait3A_114 : memref<128x64xf32, #tpu.memory_space<hbm>>) dst(%arg9 : memref<128x64xf32, #tpu.memory_space<vmem>>)
      "tpu.region"() ({
        %run_scoped3A = tpu.sem_alloc : memref<!tpu.dma_semaphore, #tpu.memory_space<semaphore_mem>>
        %dma_start3A_165 = arith.constant 0 : i32
        %dma_start3A_166 = tpu.memref_slice %arg7[%add3A_108, %dma_start3A_165] : memref<160x128xi32, #tpu.memory_space<vmem>> -> memref<1x128xi32, #tpu.memory_space<vmem>>
        %dma_start3A_167 = tpu.memref_squeeze %dma_start3A_166 : memref<1x128xi32, #tpu.memory_space<vmem>> -> memref<128xi32, #tpu.memory_space<vmem>>
        %dma_start3A_168 = arith.constant 0 : i32
        %dma_start3A_169 = arith.constant 0 : i32
        %dma_start3A_170 = tpu.memref_slice %arg12[%dma_start3A_168, %dma_start3A_169] : memref<10128x64xf32, #tpu.memory_space<vmem_shared>> -> memref<10128x64xf32, #tpu.memory_space<vmem_shared>>
        tpu.enqueue_indirect_dma source(%arg9 : memref<128x64xf32, #tpu.memory_space<vmem>>) target(%dma_start3A_170 : memref<10128x64xf32, #tpu.memory_space<vmem_shared>>) offsets(%dma_start3A_167 : memref<128xi32, #tpu.memory_space<vmem>>) semaphore(%run_scoped3A : memref<!tpu.dma_semaphore, #tpu.memory_space<semaphore_mem>>) {add = true}
        %dma_wait3A_171 = arith.constant 0 : i32
        %dma_wait3A_172 = tpu.memref_slice %arg7[%add3A_108, %dma_wait3A_171] : memref<160x128xi32, #tpu.memory_space<vmem>> -> memref<1x128xi32, #tpu.memory_space<vmem>>
        %dma_wait3A_173 = tpu.memref_squeeze %dma_wait3A_172 : memref<1x128xi32, #tpu.memory_space<vmem>> -> memref<128xi32, #tpu.memory_space<vmem>>
        %dma_wait3A_174 = arith.constant 0 : i32
        %dma_wait3A_175 = arith.constant 0 : i32
        %dma_wait3A_176 = tpu.memref_slice %arg12[%dma_wait3A_174, %dma_wait3A_175] : memref<10128x64xf32, #tpu.memory_space<vmem_shared>> -> memref<10128x64xf32, #tpu.memory_space<vmem_shared>>
        tpu.wait_indirect_dma semaphore(%run_scoped3A : memref<!tpu.dma_semaphore, #tpu.memory_space<semaphore_mem>>) src(%arg9 : memref<128x64xf32, #tpu.memory_space<vmem>>) dst(%dma_wait3A_176 : memref<10128x64xf32, #tpu.memory_space<vmem_shared>>)
        tpu.yield
      }) : () -> ()
      %add3A_115 = arith.constant 4 : i32
      %add3A_116 = arith.addi %add3A_108, %add3A_115 : i32
      %rem3A_117 = arith.constant 160 : i32
      %rem3A_118 = arith.remsi %add3A_116, %rem3A_117 : i32
      %dma_start3A_119 = arith.constant 0 : i32
      %dma_start3A_120 = tpu.memref_slice %arg6[%rem3A_118, %dma_start3A_119] : memref<160x128xi32, #tpu.memory_space<vmem>> -> memref<1x128xi32, #tpu.memory_space<vmem>>
      %dma_start3A_121 = tpu.memref_squeeze %dma_start3A_120 : memref<1x128xi32, #tpu.memory_space<vmem>> -> memref<128xi32, #tpu.memory_space<vmem>>
      %dma_start3A_122 = arith.constant 0 : i32
      %dma_start3A_123 = arith.constant 0 : i32
      %dma_start3A_124 = tpu.memref_slice %arg2[%dma_start3A_122, %dma_start3A_123] : memref<20000x64xf32, #tpu.memory_space<hbm>> -> memref<20000x64xf32, #tpu.memory_space<hbm>>
      tpu.enqueue_indirect_dma source(%dma_start3A_124 : memref<20000x64xf32, #tpu.memory_space<hbm>>) target(%arg9 : memref<128x64xf32, #tpu.memory_space<vmem>>) offsets(%dma_start3A_121 : memref<128xi32, #tpu.memory_space<vmem>>) semaphore(%arg14 : memref<!tpu.dma_semaphore, #tpu.memory_space<semaphore_mem>>)
      %mul3A_125 = arith.constant 4 : i32
      %mul3A_126 = arith.muli %mul3A_125, %scan3A_85 : i32
      %add3A_127 = arith.constant 2 : i32
      %add3A_128 = arith.addi %mul3A_126, %add3A_127 : i32
      %dma_wait3A_129 = arith.constant 0 : i32
      %dma_wait3A_130 = arith.constant 0 : i32
      %dma_wait3A_131 = tpu.memref_slice %arg2[%dma_wait3A_129, %dma_wait3A_130] : memref<20000x64xf32, #tpu.memory_space<hbm>> -> memref<128x64xf32, #tpu.memory_space<hbm>>
      %dma_wait3A_132 = arith.constant 0 : i32
      %dma_wait3A_133 = arith.constant 0 : i32
      %dma_wait3A_134 = tpu.memref_slice %arg2[%dma_wait3A_132, %dma_wait3A_133] : memref<20000x64xf32, #tpu.memory_space<hbm>> -> memref<128x64xf32, #tpu.memory_space<hbm>>
      tpu.wait_dma2 semaphore(%arg15 : memref<!tpu.dma_semaphore, #tpu.memory_space<semaphore_mem>>) src(%dma_wait3A_134 : memref<128x64xf32, #tpu.memory_space<hbm>>) dst(%arg10 : memref<128x64xf32, #tpu.memory_space<vmem>>)
      "tpu.region"() ({
        %run_scoped3A = tpu.sem_alloc : memref<!tpu.dma_semaphore, #tpu.memory_space<semaphore_mem>>
        %dma_start3A_165 = arith.constant 0 : i32
        %dma_start3A_166 = tpu.memref_slice %arg7[%add3A_128, %dma_start3A_165] : memref<160x128xi32, #tpu.memory_space<vmem>> -> memref<1x128xi32, #tpu.memory_space<vmem>>
        %dma_start3A_167 = tpu.memref_squeeze %dma_start3A_166 : memref<1x128xi32, #tpu.memory_space<vmem>> -> memref<128xi32, #tpu.memory_space<vmem>>
        %dma_start3A_168 = arith.constant 0 : i32
        %dma_start3A_169 = arith.constant 0 : i32
        %dma_start3A_170 = tpu.memref_slice %arg12[%dma_start3A_168, %dma_start3A_169] : memref<10128x64xf32, #tpu.memory_space<vmem_shared>> -> memref<10128x64xf32, #tpu.memory_space<vmem_shared>>
        tpu.enqueue_indirect_dma source(%arg10 : memref<128x64xf32, #tpu.memory_space<vmem>>) target(%dma_start3A_170 : memref<10128x64xf32, #tpu.memory_space<vmem_shared>>) offsets(%dma_start3A_167 : memref<128xi32, #tpu.memory_space<vmem>>) semaphore(%run_scoped3A : memref<!tpu.dma_semaphore, #tpu.memory_space<semaphore_mem>>) {add = true}
        %dma_wait3A_171 = arith.constant 0 : i32
        %dma_wait3A_172 = tpu.memref_slice %arg7[%add3A_128, %dma_wait3A_171] : memref<160x128xi32, #tpu.memory_space<vmem>> -> memref<1x128xi32, #tpu.memory_space<vmem>>
        %dma_wait3A_173 = tpu.memref_squeeze %dma_wait3A_172 : memref<1x128xi32, #tpu.memory_space<vmem>> -> memref<128xi32, #tpu.memory_space<vmem>>
        %dma_wait3A_174 = arith.constant 0 : i32
        %dma_wait3A_175 = arith.constant 0 : i32
        %dma_wait3A_176 = tpu.memref_slice %arg12[%dma_wait3A_174, %dma_wait3A_175] : memref<10128x64xf32, #tpu.memory_space<vmem_shared>> -> memref<10128x64xf32, #tpu.memory_space<vmem_shared>>
        tpu.wait_indirect_dma semaphore(%run_scoped3A : memref<!tpu.dma_semaphore, #tpu.memory_space<semaphore_mem>>) src(%arg10 : memref<128x64xf32, #tpu.memory_space<vmem>>) dst(%dma_wait3A_176 : memref<10128x64xf32, #tpu.memory_space<vmem_shared>>)
        tpu.yield
      }) : () -> ()
      %add3A_135 = arith.constant 4 : i32
      %add3A_136 = arith.addi %add3A_128, %add3A_135 : i32
      %rem3A_137 = arith.constant 160 : i32
      %rem3A_138 = arith.remsi %add3A_136, %rem3A_137 : i32
      %dma_start3A_139 = arith.constant 0 : i32
      %dma_start3A_140 = tpu.memref_slice %arg6[%rem3A_138, %dma_start3A_139] : memref<160x128xi32, #tpu.memory_space<vmem>> -> memref<1x128xi32, #tpu.memory_space<vmem>>
      %dma_start3A_141 = tpu.memref_squeeze %dma_start3A_140 : memref<1x128xi32, #tpu.memory_space<vmem>> -> memref<128xi32, #tpu.memory_space<vmem>>
      %dma_start3A_142 = arith.constant 0 : i32
      %dma_start3A_143 = arith.constant 0 : i32
      %dma_start3A_144 = tpu.memref_slice %arg2[%dma_start3A_142, %dma_start3A_143] : memref<20000x64xf32, #tpu.memory_space<hbm>> -> memref<20000x64xf32, #tpu.memory_space<hbm>>
      tpu.enqueue_indirect_dma source(%dma_start3A_144 : memref<20000x64xf32, #tpu.memory_space<hbm>>) target(%arg10 : memref<128x64xf32, #tpu.memory_space<vmem>>) offsets(%dma_start3A_141 : memref<128xi32, #tpu.memory_space<vmem>>) semaphore(%arg15 : memref<!tpu.dma_semaphore, #tpu.memory_space<semaphore_mem>>)
      %mul3A_145 = arith.constant 4 : i32
      %mul3A_146 = arith.muli %mul3A_145, %scan3A_85 : i32
      %add3A_147 = arith.constant 3 : i32
      %add3A_148 = arith.addi %mul3A_146, %add3A_147 : i32
      %dma_wait3A_149 = arith.constant 0 : i32
      %dma_wait3A_150 = arith.constant 0 : i32
      %dma_wait3A_151 = tpu.memref_slice %arg2[%dma_wait3A_149, %dma_wait3A_150] : memref<20000x64xf32, #tpu.memory_space<hbm>> -> memref<128x64xf32, #tpu.memory_space<hbm>>
      %dma_wait3A_152 = arith.constant 0 : i32
      %dma_wait3A_153 = arith.constant 0 : i32
      %dma_wait3A_154 = tpu.memref_slice %arg2[%dma_wait3A_152, %dma_wait3A_153] : memref<20000x64xf32, #tpu.memory_space<hbm>> -> memref<128x64xf32, #tpu.memory_space<hbm>>
      tpu.wait_dma2 semaphore(%arg16 : memref<!tpu.dma_semaphore, #tpu.memory_space<semaphore_mem>>) src(%dma_wait3A_154 : memref<128x64xf32, #tpu.memory_space<hbm>>) dst(%arg11 : memref<128x64xf32, #tpu.memory_space<vmem>>)
      "tpu.region"() ({
        %run_scoped3A = tpu.sem_alloc : memref<!tpu.dma_semaphore, #tpu.memory_space<semaphore_mem>>
        %dma_start3A_165 = arith.constant 0 : i32
        %dma_start3A_166 = tpu.memref_slice %arg7[%add3A_148, %dma_start3A_165] : memref<160x128xi32, #tpu.memory_space<vmem>> -> memref<1x128xi32, #tpu.memory_space<vmem>>
        %dma_start3A_167 = tpu.memref_squeeze %dma_start3A_166 : memref<1x128xi32, #tpu.memory_space<vmem>> -> memref<128xi32, #tpu.memory_space<vmem>>
        %dma_start3A_168 = arith.constant 0 : i32
        %dma_start3A_169 = arith.constant 0 : i32
        %dma_start3A_170 = tpu.memref_slice %arg12[%dma_start3A_168, %dma_start3A_169] : memref<10128x64xf32, #tpu.memory_space<vmem_shared>> -> memref<10128x64xf32, #tpu.memory_space<vmem_shared>>
        tpu.enqueue_indirect_dma source(%arg11 : memref<128x64xf32, #tpu.memory_space<vmem>>) target(%dma_start3A_170 : memref<10128x64xf32, #tpu.memory_space<vmem_shared>>) offsets(%dma_start3A_167 : memref<128xi32, #tpu.memory_space<vmem>>) semaphore(%run_scoped3A : memref<!tpu.dma_semaphore, #tpu.memory_space<semaphore_mem>>) {add = true}
        %dma_wait3A_171 = arith.constant 0 : i32
        %dma_wait3A_172 = tpu.memref_slice %arg7[%add3A_148, %dma_wait3A_171] : memref<160x128xi32, #tpu.memory_space<vmem>> -> memref<1x128xi32, #tpu.memory_space<vmem>>
        %dma_wait3A_173 = tpu.memref_squeeze %dma_wait3A_172 : memref<1x128xi32, #tpu.memory_space<vmem>> -> memref<128xi32, #tpu.memory_space<vmem>>
        %dma_wait3A_174 = arith.constant 0 : i32
        %dma_wait3A_175 = arith.constant 0 : i32
        %dma_wait3A_176 = tpu.memref_slice %arg12[%dma_wait3A_174, %dma_wait3A_175] : memref<10128x64xf32, #tpu.memory_space<vmem_shared>> -> memref<10128x64xf32, #tpu.memory_space<vmem_shared>>
        tpu.wait_indirect_dma semaphore(%run_scoped3A : memref<!tpu.dma_semaphore, #tpu.memory_space<semaphore_mem>>) src(%arg11 : memref<128x64xf32, #tpu.memory_space<vmem>>) dst(%dma_wait3A_176 : memref<10128x64xf32, #tpu.memory_space<vmem_shared>>)
        tpu.yield
      }) : () -> ()
      %add3A_155 = arith.constant 4 : i32
      %add3A_156 = arith.addi %add3A_148, %add3A_155 : i32
      %rem3A_157 = arith.constant 160 : i32
      %rem3A_158 = arith.remsi %add3A_156, %rem3A_157 : i32
      %dma_start3A_159 = arith.constant 0 : i32
      %dma_start3A_160 = tpu.memref_slice %arg6[%rem3A_158, %dma_start3A_159] : memref<160x128xi32, #tpu.memory_space<vmem>> -> memref<1x128xi32, #tpu.memory_space<vmem>>
      %dma_start3A_161 = tpu.memref_squeeze %dma_start3A_160 : memref<1x128xi32, #tpu.memory_space<vmem>> -> memref<128xi32, #tpu.memory_space<vmem>>
      %dma_start3A_162 = arith.constant 0 : i32
      %dma_start3A_163 = arith.constant 0 : i32
      %dma_start3A_164 = tpu.memref_slice %arg2[%dma_start3A_162, %dma_start3A_163] : memref<20000x64xf32, #tpu.memory_space<hbm>> -> memref<20000x64xf32, #tpu.memory_space<hbm>>
      tpu.enqueue_indirect_dma source(%dma_start3A_164 : memref<20000x64xf32, #tpu.memory_space<hbm>>) target(%arg11 : memref<128x64xf32, #tpu.memory_space<vmem>>) offsets(%dma_start3A_161 : memref<128xi32, #tpu.memory_space<vmem>>) semaphore(%arg16 : memref<!tpu.dma_semaphore, #tpu.memory_space<semaphore_mem>>)
    }
    %scan3A_56 = arith.constant 40 : i32
    %dma_wait3A = arith.constant 0 : i32
    %dma_wait3A_57 = arith.constant 0 : i32
    %dma_wait3A_58 = tpu.memref_slice %arg2[%dma_wait3A, %dma_wait3A_57] : memref<20000x64xf32, #tpu.memory_space<hbm>> -> memref<128x64xf32, #tpu.memory_space<hbm>>
    %dma_wait3A_59 = arith.constant 0 : i32
    %dma_wait3A_60 = arith.constant 0 : i32
    %dma_wait3A_61 = tpu.memref_slice %arg2[%dma_wait3A_59, %dma_wait3A_60] : memref<20000x64xf32, #tpu.memory_space<hbm>> -> memref<128x64xf32, #tpu.memory_space<hbm>>
    tpu.wait_dma2 semaphore(%arg13 : memref<!tpu.dma_semaphore, #tpu.memory_space<semaphore_mem>>) src(%dma_wait3A_61 : memref<128x64xf32, #tpu.memory_space<hbm>>) dst(%arg8 : memref<128x64xf32, #tpu.memory_space<vmem>>)
    %dma_wait3A_62 = arith.constant 0 : i32
    %dma_wait3A_63 = arith.constant 0 : i32
    %dma_wait3A_64 = tpu.memref_slice %arg2[%dma_wait3A_62, %dma_wait3A_63] : memref<20000x64xf32, #tpu.memory_space<hbm>> -> memref<128x64xf32, #tpu.memory_space<hbm>>
    %dma_wait3A_65 = arith.constant 0 : i32
    %dma_wait3A_66 = arith.constant 0 : i32
    %dma_wait3A_67 = tpu.memref_slice %arg2[%dma_wait3A_65, %dma_wait3A_66] : memref<20000x64xf32, #tpu.memory_space<hbm>> -> memref<128x64xf32, #tpu.memory_space<hbm>>
    tpu.wait_dma2 semaphore(%arg14 : memref<!tpu.dma_semaphore, #tpu.memory_space<semaphore_mem>>) src(%dma_wait3A_67 : memref<128x64xf32, #tpu.memory_space<hbm>>) dst(%arg9 : memref<128x64xf32, #tpu.memory_space<vmem>>)
    %dma_wait3A_68 = arith.constant 0 : i32
    %dma_wait3A_69 = arith.constant 0 : i32
    %dma_wait3A_70 = tpu.memref_slice %arg2[%dma_wait3A_68, %dma_wait3A_69] : memref<20000x64xf32, #tpu.memory_space<hbm>> -> memref<128x64xf32, #tpu.memory_space<hbm>>
    %dma_wait3A_71 = arith.constant 0 : i32
    %dma_wait3A_72 = arith.constant 0 : i32
    %dma_wait3A_73 = tpu.memref_slice %arg2[%dma_wait3A_71, %dma_wait3A_72] : memref<20000x64xf32, #tpu.memory_space<hbm>> -> memref<128x64xf32, #tpu.memory_space<hbm>>
    tpu.wait_dma2 semaphore(%arg15 : memref<!tpu.dma_semaphore, #tpu.memory_space<semaphore_mem>>) src(%dma_wait3A_73 : memref<128x64xf32, #tpu.memory_space<hbm>>) dst(%arg10 : memref<128x64xf32, #tpu.memory_space<vmem>>)
    %dma_wait3A_74 = arith.constant 0 : i32
    %dma_wait3A_75 = arith.constant 0 : i32
    %dma_wait3A_76 = tpu.memref_slice %arg2[%dma_wait3A_74, %dma_wait3A_75] : memref<20000x64xf32, #tpu.memory_space<hbm>> -> memref<128x64xf32, #tpu.memory_space<hbm>>
    %dma_wait3A_77 = arith.constant 0 : i32
    %dma_wait3A_78 = arith.constant 0 : i32
    %dma_wait3A_79 = tpu.memref_slice %arg2[%dma_wait3A_77, %dma_wait3A_78] : memref<20000x64xf32, #tpu.memory_space<hbm>> -> memref<128x64xf32, #tpu.memory_space<hbm>>
    tpu.wait_dma2 semaphore(%arg16 : memref<!tpu.dma_semaphore, #tpu.memory_space<semaphore_mem>>) src(%dma_wait3A_79 : memref<128x64xf32, #tpu.memory_space<hbm>>) dst(%arg11 : memref<128x64xf32, #tpu.memory_space<vmem>>)
    %barrier3A_80 = arith.constant 0 : index
    tpu.barrier barrier_id(%barrier3A_80)
    %mul3A_81 = arith.constant 625 : i32
    %mul3A_82 = arith.muli %arg1, %mul3A_81 : i32
    %mul3A_83 = arith.constant 625 : i32
    %mul3A_84 = arith.muli %arg1, %mul3A_83 : i32
    "tpu.region"() ({
      %run_scoped3A = tpu.sem_alloc : memref<!tpu.dma_semaphore, #tpu.memory_space<semaphore_mem>>
      %dma_start3A_85 = arith.constant 0 : i32
      %dma_start3A_86 = tpu.memref_slice %arg5[%arg0, %mul3A_84, %dma_start3A_85] : memref<2x10000x64xf32, #tpu.memory_space<hbm>> -> memref<1x625x64xf32, #tpu.memory_space<hbm>>
      %dma_start3A_87 = tpu.memref_squeeze %dma_start3A_86 : memref<1x625x64xf32, #tpu.memory_space<hbm>> -> memref<625x64xf32, #tpu.memory_space<hbm>>
      %dma_start3A_88 = arith.constant 0 : i32
      %dma_start3A_89 = tpu.memref_slice %arg12[%mul3A_82, %dma_start3A_88] : memref<10128x64xf32, #tpu.memory_space<vmem_shared>> -> memref<625x64xf32, #tpu.memory_space<vmem_shared>>
      tpu.enqueue_dma source(%dma_start3A_89 : memref<625x64xf32, #tpu.memory_space<vmem_shared>>) target(%dma_start3A_87 : memref<625x64xf32, #tpu.memory_space<hbm>>) target_semaphore(%run_scoped3A : memref<!tpu.dma_semaphore, #tpu.memory_space<semaphore_mem>>)
      %dma_wait3A_90 = arith.constant 0 : i32
      %dma_wait3A_91 = tpu.memref_slice %arg5[%arg0, %mul3A_84, %dma_wait3A_90] : memref<2x10000x64xf32, #tpu.memory_space<hbm>> -> memref<1x625x64xf32, #tpu.memory_space<hbm>>
      %dma_wait3A_92 = tpu.memref_squeeze %dma_wait3A_91 : memref<1x625x64xf32, #tpu.memory_space<hbm>> -> memref<625x64xf32, #tpu.memory_space<hbm>>
      %dma_wait3A_93 = arith.constant 0 : i32
      %dma_wait3A_94 = tpu.memref_slice %arg12[%mul3A_82, %dma_wait3A_93] : memref<10128x64xf32, #tpu.memory_space<vmem_shared>> -> memref<625x64xf32, #tpu.memory_space<vmem_shared>>
      tpu.wait_dma2 semaphore(%run_scoped3A : memref<!tpu.dma_semaphore, #tpu.memory_space<semaphore_mem>>) src(%dma_wait3A_94 : memref<625x64xf32, #tpu.memory_space<vmem_shared>>) dst(%dma_wait3A_92 : memref<625x64xf32, #tpu.memory_space<hbm>>)
      tpu.yield
    }) : () -> ()
    return
  }
}

#map = affine_map<(d0, d1) -> (0, 0)>
#map1 = affine_map<(d0, d1) -> (0, 0, 0, 0)>
#map2 = affine_map<(d0, d1) -> (0, 0, 0)>
module attributes {stable_mosaic.version = 14 : i64} {
  func.func @body(%arg0: i32, %arg1: i32, %arg2: memref<20000x72xf32, #tpu.memory_space<hbm>>, %arg3: memref<2x16x160x128xi32, #tpu.memory_space<hbm>>, %arg4: memref<16x160x128xi32, #tpu.memory_space<hbm>>, %arg5: memref<2x10000x72xf32, #tpu.memory_space<hbm>>, %arg6: memref<160x128xi32, #tpu.memory_space<vmem>>, %arg7: memref<160x128xi32, #tpu.memory_space<vmem>>, %arg8: memref<128x72xf32, #tpu.memory_space<vmem>>, %arg9: memref<128x72xf32, #tpu.memory_space<vmem>>, %arg10: memref<128x72xf32, #tpu.memory_space<vmem>>, %arg11: memref<128x72xf32, #tpu.memory_space<vmem>>, %arg12: memref<10128x72xf32, #tpu.memory_space<vmem_shared>>, %arg13: memref<!tpu.dma_semaphore, #tpu.memory_space<semaphore_mem>>, %arg14: memref<!tpu.dma_semaphore, #tpu.memory_space<semaphore_mem>>, %arg15: memref<!tpu.dma_semaphore, #tpu.memory_space<semaphore_mem>>, %arg16: memref<!tpu.dma_semaphore, #tpu.memory_space<semaphore_mem>>) attributes {dimension_semantics = [#tpu.dimension_semantics<core_parallel>, #tpu.dimension_semantics<subcore_parallel>], iteration_bounds = array<i64: 2, 16>, scalar_prefetch = 0 : i64, scratch_operands = 11 : i64, tpu.core_type = #tpu.core_type<sc_vector_subcore>, window_params = [{transform_indices = #map}, {transform_indices = #map1}, {transform_indices = #map2}, {transform_indices = #map2}]} {
    %scan3A = arith.constant 0 : i32
    %scan3A_0 = arith.constant 0 : i32
    %scan3A_1 = arith.constant 128 : i32
    %scan3A_2 = arith.addi %scan3A_0, %scan3A_1 : i32
    %scan3A_3 = arith.constant 1 : i32
    scf.for %scan3A_85 = %scan3A_0 to %scan3A_2 step %scan3A_3  : i32 {
      %broadcast_in_dim3A = arith.constant 0.000000e+00 : f32
      %broadcast_in_dim3A_86 = vector.broadcast %broadcast_in_dim3A : f32 to vector<16xf32>
      %swap3A = arith.index_cast %scan3A_85 : i32 to index
      %swap3A_87 = arith.constant 0 : index
      %swap3A_88 = tpu.vector_load %arg8[%swap3A, %swap3A_87] {strides = array<i32>} : memref<128x72xf32, #tpu.memory_space<vmem>>, vector<1x16xf32>,
      %swap3A_89 = vector.shape_cast %swap3A_88 : vector<1x16xf32> to vector<16xf32>
      %swap3A_90 = vector.shape_cast %broadcast_in_dim3A_86 : vector<16xf32> to vector<1x16xf32>
      tpu.vector_store %arg8[%swap3A, %swap3A_87], %swap3A_90 {strides = array<i32>} : memref<128x72xf32, #tpu.memory_space<vmem>>, vector<1x16xf32>,
      %broadcast_in_dim3A_91 = arith.constant 0.000000e+00 : f32
      %broadcast_in_dim3A_92 = vector.broadcast %broadcast_in_dim3A_91 : f32 to vector<16xf32>
      %swap3A_93 = arith.index_cast %scan3A_85 : i32 to index
      %swap3A_94 = arith.constant 16 : index
      %swap3A_95 = tpu.vector_load %arg8[%swap3A_93, %swap3A_94] {strides = array<i32>} : memref<128x72xf32, #tpu.memory_space<vmem>>, vector<1x16xf32>,
      %swap3A_96 = vector.shape_cast %swap3A_95 : vector<1x16xf32> to vector<16xf32>
      %swap3A_97 = vector.shape_cast %broadcast_in_dim3A_92 : vector<16xf32> to vector<1x16xf32>
      tpu.vector_store %arg8[%swap3A_93, %swap3A_94], %swap3A_97 {strides = array<i32>} : memref<128x72xf32, #tpu.memory_space<vmem>>, vector<1x16xf32>,
      %broadcast_in_dim3A_98 = arith.constant 0.000000e+00 : f32
      %broadcast_in_dim3A_99 = vector.broadcast %broadcast_in_dim3A_98 : f32 to vector<16xf32>
      %swap3A_100 = arith.index_cast %scan3A_85 : i32 to index
      %swap3A_101 = arith.constant 32 : index
      %swap3A_102 = tpu.vector_load %arg8[%swap3A_100, %swap3A_101] {strides = array<i32>} : memref<128x72xf32, #tpu.memory_space<vmem>>, vector<1x16xf32>,
      %swap3A_103 = vector.shape_cast %swap3A_102 : vector<1x16xf32> to vector<16xf32>
      %swap3A_104 = vector.shape_cast %broadcast_in_dim3A_99 : vector<16xf32> to vector<1x16xf32>
      tpu.vector_store %arg8[%swap3A_100, %swap3A_101], %swap3A_104 {strides = array<i32>} : memref<128x72xf32, #tpu.memory_space<vmem>>, vector<1x16xf32>,
      %broadcast_in_dim3A_105 = arith.constant 0.000000e+00 : f32
      %broadcast_in_dim3A_106 = vector.broadcast %broadcast_in_dim3A_105 : f32 to vector<16xf32>
      %swap3A_107 = arith.index_cast %scan3A_85 : i32 to index
      %swap3A_108 = arith.constant 48 : index
      %swap3A_109 = tpu.vector_load %arg8[%swap3A_107, %swap3A_108] {strides = array<i32>} : memref<128x72xf32, #tpu.memory_space<vmem>>, vector<1x16xf32>,
      %swap3A_110 = vector.shape_cast %swap3A_109 : vector<1x16xf32> to vector<16xf32>
      %swap3A_111 = vector.shape_cast %broadcast_in_dim3A_106 : vector<16xf32> to vector<1x16xf32>
      tpu.vector_store %arg8[%swap3A_107, %swap3A_108], %swap3A_111 {strides = array<i32>} : memref<128x72xf32, #tpu.memory_space<vmem>>, vector<1x16xf32>,
      %broadcast_in_dim3A_112 = arith.constant 0.000000e+00 : f32
      %broadcast_in_dim3A_113 = vector.broadcast %broadcast_in_dim3A_112 : f32 to vector<16xf32>
      %swap3A_114 = arith.index_cast %scan3A_85 : i32 to index
      %swap3A_115 = arith.constant 56 : index
      %swap3A_116 = tpu.vector_load %arg8[%swap3A_114, %swap3A_115] {strides = array<i32>} : memref<128x72xf32, #tpu.memory_space<vmem>>, vector<1x16xf32>,
      %swap3A_117 = vector.shape_cast %swap3A_116 : vector<1x16xf32> to vector<16xf32>
      %swap3A_118 = vector.shape_cast %broadcast_in_dim3A_113 : vector<16xf32> to vector<1x16xf32>
      tpu.vector_store %arg8[%swap3A_114, %swap3A_115], %swap3A_118 {strides = array<i32>} : memref<128x72xf32, #tpu.memory_space<vmem>>, vector<1x16xf32>,
    }
    %scan3A_4 = arith.constant 128 : i32
    %mul3A = arith.constant 633 : i32
    %mul3A_5 = arith.muli %arg1, %mul3A : i32
    %add3A = arith.constant 0 : i32
    %add3A_6 = arith.addi %mul3A_5, %add3A : i32
    "tpu.region"() ({
      %run_scoped3A = tpu.sem_alloc : memref<!tpu.dma_semaphore, #tpu.memory_space<semaphore_mem>>
      %dma_start3A_85 = arith.constant 0 : i32
      %dma_start3A_86 = tpu.memref_slice %arg12[%add3A_6, %dma_start3A_85] : memref<10128x72xf32, #tpu.memory_space<vmem_shared>> -> memref<128x72xf32, #tpu.memory_space<vmem_shared>>
      %dma_start3A_87 = arith.constant 0 : i32
      %dma_start3A_88 = tpu.memref_slice %arg12[%add3A_6, %dma_start3A_87] : memref<10128x72xf32, #tpu.memory_space<vmem_shared>> -> memref<128x72xf32, #tpu.memory_space<vmem_shared>>
      tpu.enqueue_dma source(%arg8 : memref<128x72xf32, #tpu.memory_space<vmem>>) target(%dma_start3A_88 : memref<128x72xf32, #tpu.memory_space<vmem_shared>>) target_semaphore(%run_scoped3A : memref<!tpu.dma_semaphore, #tpu.memory_space<semaphore_mem>>)
      %dma_wait3A_89 = arith.constant 0 : i32
      %dma_wait3A_90 = tpu.memref_slice %arg12[%add3A_6, %dma_wait3A_89] : memref<10128x72xf32, #tpu.memory_space<vmem_shared>> -> memref<128x72xf32, #tpu.memory_space<vmem_shared>>
      %dma_wait3A_91 = arith.constant 0 : i32
      %dma_wait3A_92 = tpu.memref_slice %arg12[%add3A_6, %dma_wait3A_91] : memref<10128x72xf32, #tpu.memory_space<vmem_shared>> -> memref<128x72xf32, #tpu.memory_space<vmem_shared>>
      tpu.wait_dma2 semaphore(%run_scoped3A : memref<!tpu.dma_semaphore, #tpu.memory_space<semaphore_mem>>) src(%arg8 : memref<128x72xf32, #tpu.memory_space<vmem>>) dst(%dma_wait3A_92 : memref<128x72xf32, #tpu.memory_space<vmem_shared>>)
      tpu.yield
    }) : () -> ()
    %mul3A_7 = arith.constant 633 : i32
    %mul3A_8 = arith.muli %arg1, %mul3A_7 : i32
    %add3A_9 = arith.constant 128 : i32
    %add3A_10 = arith.addi %mul3A_8, %add3A_9 : i32
    "tpu.region"() ({
      %run_scoped3A = tpu.sem_alloc : memref<!tpu.dma_semaphore, #tpu.memory_space<semaphore_mem>>
      %dma_start3A_85 = arith.constant 0 : i32
      %dma_start3A_86 = tpu.memref_slice %arg12[%add3A_10, %dma_start3A_85] : memref<10128x72xf32, #tpu.memory_space<vmem_shared>> -> memref<128x72xf32, #tpu.memory_space<vmem_shared>>
      %dma_start3A_87 = arith.constant 0 : i32
      %dma_start3A_88 = tpu.memref_slice %arg12[%add3A_10, %dma_start3A_87] : memref<10128x72xf32, #tpu.memory_space<vmem_shared>> -> memref<128x72xf32, #tpu.memory_space<vmem_shared>>
      tpu.enqueue_dma source(%arg8 : memref<128x72xf32, #tpu.memory_space<vmem>>) target(%dma_start3A_88 : memref<128x72xf32, #tpu.memory_space<vmem_shared>>) target_semaphore(%run_scoped3A : memref<!tpu.dma_semaphore, #tpu.memory_space<semaphore_mem>>)
      %dma_wait3A_89 = arith.constant 0 : i32
      %dma_wait3A_90 = tpu.memref_slice %arg12[%add3A_10, %dma_wait3A_89] : memref<10128x72xf32, #tpu.memory_space<vmem_shared>> -> memref<128x72xf32, #tpu.memory_space<vmem_shared>>
      %dma_wait3A_91 = arith.constant 0 : i32
      %dma_wait3A_92 = tpu.memref_slice %arg12[%add3A_10, %dma_wait3A_91] : memref<10128x72xf32, #tpu.memory_space<vmem_shared>> -> memref<128x72xf32, #tpu.memory_space<vmem_shared>>
      tpu.wait_dma2 semaphore(%run_scoped3A : memref<!tpu.dma_semaphore, #tpu.memory_space<semaphore_mem>>) src(%arg8 : memref<128x72xf32, #tpu.memory_space<vmem>>) dst(%dma_wait3A_92 : memref<128x72xf32, #tpu.memory_space<vmem_shared>>)
      tpu.yield
    }) : () -> ()
    %mul3A_11 = arith.constant 633 : i32
    %mul3A_12 = arith.muli %arg1, %mul3A_11 : i32
    %add3A_13 = arith.constant 256 : i32
    %add3A_14 = arith.addi %mul3A_12, %add3A_13 : i32
    "tpu.region"() ({
      %run_scoped3A = tpu.sem_alloc : memref<!tpu.dma_semaphore, #tpu.memory_space<semaphore_mem>>
      %dma_start3A_85 = arith.constant 0 : i32
      %dma_start3A_86 = tpu.memref_slice %arg12[%add3A_14, %dma_start3A_85] : memref<10128x72xf32, #tpu.memory_space<vmem_shared>> -> memref<128x72xf32, #tpu.memory_space<vmem_shared>>
      %dma_start3A_87 = arith.constant 0 : i32
      %dma_start3A_88 = tpu.memref_slice %arg12[%add3A_14, %dma_start3A_87] : memref<10128x72xf32, #tpu.memory_space<vmem_shared>> -> memref<128x72xf32, #tpu.memory_space<vmem_shared>>
      tpu.enqueue_dma source(%arg8 : memref<128x72xf32, #tpu.memory_space<vmem>>) target(%dma_start3A_88 : memref<128x72xf32, #tpu.memory_space<vmem_shared>>) target_semaphore(%run_scoped3A : memref<!tpu.dma_semaphore, #tpu.memory_space<semaphore_mem>>)
      %dma_wait3A_89 = arith.constant 0 : i32
      %dma_wait3A_90 = tpu.memref_slice %arg12[%add3A_14, %dma_wait3A_89] : memref<10128x72xf32, #tpu.memory_space<vmem_shared>> -> memref<128x72xf32, #tpu.memory_space<vmem_shared>>
      %dma_wait3A_91 = arith.constant 0 : i32
      %dma_wait3A_92 = tpu.memref_slice %arg12[%add3A_14, %dma_wait3A_91] : memref<10128x72xf32, #tpu.memory_space<vmem_shared>> -> memref<128x72xf32, #tpu.memory_space<vmem_shared>>
      tpu.wait_dma2 semaphore(%run_scoped3A : memref<!tpu.dma_semaphore, #tpu.memory_space<semaphore_mem>>) src(%arg8 : memref<128x72xf32, #tpu.memory_space<vmem>>) dst(%dma_wait3A_92 : memref<128x72xf32, #tpu.memory_space<vmem_shared>>)
      tpu.yield
    }) : () -> ()
    %mul3A_15 = arith.constant 633 : i32
    %mul3A_16 = arith.muli %arg1, %mul3A_15 : i32
    %add3A_17 = arith.constant 384 : i32
    %add3A_18 = arith.addi %mul3A_16, %add3A_17 : i32
    "tpu.region"() ({
      %run_scoped3A = tpu.sem_alloc : memref<!tpu.dma_semaphore, #tpu.memory_space<semaphore_mem>>
      %dma_start3A_85 = arith.constant 0 : i32
      %dma_start3A_86 = tpu.memref_slice %arg12[%add3A_18, %dma_start3A_85] : memref<10128x72xf32, #tpu.memory_space<vmem_shared>> -> memref<128x72xf32, #tpu.memory_space<vmem_shared>>
      %dma_start3A_87 = arith.constant 0 : i32
      %dma_start3A_88 = tpu.memref_slice %arg12[%add3A_18, %dma_start3A_87] : memref<10128x72xf32, #tpu.memory_space<vmem_shared>> -> memref<128x72xf32, #tpu.memory_space<vmem_shared>>
      tpu.enqueue_dma source(%arg8 : memref<128x72xf32, #tpu.memory_space<vmem>>) target(%dma_start3A_88 : memref<128x72xf32, #tpu.memory_space<vmem_shared>>) target_semaphore(%run_scoped3A : memref<!tpu.dma_semaphore, #tpu.memory_space<semaphore_mem>>)
      %dma_wait3A_89 = arith.constant 0 : i32
      %dma_wait3A_90 = tpu.memref_slice %arg12[%add3A_18, %dma_wait3A_89] : memref<10128x72xf32, #tpu.memory_space<vmem_shared>> -> memref<128x72xf32, #tpu.memory_space<vmem_shared>>
      %dma_wait3A_91 = arith.constant 0 : i32
      %dma_wait3A_92 = tpu.memref_slice %arg12[%add3A_18, %dma_wait3A_91] : memref<10128x72xf32, #tpu.memory_space<vmem_shared>> -> memref<128x72xf32, #tpu.memory_space<vmem_shared>>
      tpu.wait_dma2 semaphore(%run_scoped3A : memref<!tpu.dma_semaphore, #tpu.memory_space<semaphore_mem>>) src(%arg8 : memref<128x72xf32, #tpu.memory_space<vmem>>) dst(%dma_wait3A_92 : memref<128x72xf32, #tpu.memory_space<vmem_shared>>)
      tpu.yield
    }) : () -> ()
    %mul3A_19 = arith.constant 633 : i32
    %mul3A_20 = arith.muli %arg1, %mul3A_19 : i32
    %add3A_21 = arith.constant 633 : i32
    %add3A_22 = arith.addi %mul3A_20, %add3A_21 : i32
    %sub3A = arith.constant 121 : i32
    %sub3A_23 = arith.subi %add3A_22, %sub3A : i32
    "tpu.region"() ({
      %run_scoped3A = tpu.sem_alloc : memref<!tpu.dma_semaphore, #tpu.memory_space<semaphore_mem>>
      %dma_start3A_85 = arith.constant 0 : i32
      %dma_start3A_86 = arith.constant 0 : i32
      %dma_start3A_87 = tpu.memref_slice %arg8[%dma_start3A_85, %dma_start3A_86] : memref<128x72xf32, #tpu.memory_space<vmem>> -> memref<121x72xf32, #tpu.memory_space<vmem>>
      %dma_start3A_88 = arith.constant 0 : i32
      %dma_start3A_89 = tpu.memref_slice %arg12[%sub3A_23, %dma_start3A_88] : memref<10128x72xf32, #tpu.memory_space<vmem_shared>> -> memref<121x72xf32, #tpu.memory_space<vmem_shared>>
      %dma_start3A_90 = arith.constant 0 : i32
      %dma_start3A_91 = tpu.memref_slice %arg12[%sub3A_23, %dma_start3A_90] : memref<10128x72xf32, #tpu.memory_space<vmem_shared>> -> memref<121x72xf32, #tpu.memory_space<vmem_shared>>
      %dma_start3A_92 = arith.constant 0 : i32
      %dma_start3A_93 = arith.constant 0 : i32
      %dma_start3A_94 = tpu.memref_slice %arg8[%dma_start3A_92, %dma_start3A_93] : memref<128x72xf32, #tpu.memory_space<vmem>> -> memref<121x72xf32, #tpu.memory_space<vmem>>
      tpu.enqueue_dma source(%dma_start3A_94 : memref<121x72xf32, #tpu.memory_space<vmem>>) target(%dma_start3A_91 : memref<121x72xf32, #tpu.memory_space<vmem_shared>>) target_semaphore(%run_scoped3A : memref<!tpu.dma_semaphore, #tpu.memory_space<semaphore_mem>>)
      %dma_wait3A_95 = arith.constant 0 : i32
      %dma_wait3A_96 = arith.constant 0 : i32
      %dma_wait3A_97 = tpu.memref_slice %arg8[%dma_wait3A_95, %dma_wait3A_96] : memref<128x72xf32, #tpu.memory_space<vmem>> -> memref<121x72xf32, #tpu.memory_space<vmem>>
      %dma_wait3A_98 = arith.constant 0 : i32
      %dma_wait3A_99 = tpu.memref_slice %arg12[%sub3A_23, %dma_wait3A_98] : memref<10128x72xf32, #tpu.memory_space<vmem_shared>> -> memref<121x72xf32, #tpu.memory_space<vmem_shared>>
      %dma_wait3A_100 = arith.constant 0 : i32
      %dma_wait3A_101 = tpu.memref_slice %arg12[%sub3A_23, %dma_wait3A_100] : memref<10128x72xf32, #tpu.memory_space<vmem_shared>> -> memref<121x72xf32, #tpu.memory_space<vmem_shared>>
      %dma_wait3A_102 = arith.constant 0 : i32
      %dma_wait3A_103 = arith.constant 0 : i32
      %dma_wait3A_104 = tpu.memref_slice %arg8[%dma_wait3A_102, %dma_wait3A_103] : memref<128x72xf32, #tpu.memory_space<vmem>> -> memref<121x72xf32, #tpu.memory_space<vmem>>
      tpu.wait_dma2 semaphore(%run_scoped3A : memref<!tpu.dma_semaphore, #tpu.memory_space<semaphore_mem>>) src(%dma_wait3A_104 : memref<121x72xf32, #tpu.memory_space<vmem>>) dst(%dma_wait3A_101 : memref<121x72xf32, #tpu.memory_space<vmem_shared>>)
      tpu.yield
    }) : () -> ()
    "tpu.region"() ({
      %run_scoped3A = tpu.sem_alloc : memref<!tpu.dma_semaphore, #tpu.memory_space<semaphore_mem>>
      %dma_start3A_85 = arith.constant 0 : i32
      %dma_start3A_86 = arith.constant 0 : i32
      %dma_start3A_87 = tpu.memref_slice %arg3[%arg0, %arg1, %dma_start3A_85, %dma_start3A_86] : memref<2x16x160x128xi32, #tpu.memory_space<hbm>> -> memref<1x1x160x128xi32, #tpu.memory_space<hbm>>
      %dma_start3A_88 = tpu.memref_squeeze %dma_start3A_87 : memref<1x1x160x128xi32, #tpu.memory_space<hbm>> -> memref<160x128xi32, #tpu.memory_space<hbm>>
      %dma_start3A_89 = arith.constant 0 : i32
      %dma_start3A_90 = arith.constant 0 : i32
      %dma_start3A_91 = tpu.memref_slice %arg3[%arg0, %arg1, %dma_start3A_89, %dma_start3A_90] : memref<2x16x160x128xi32, #tpu.memory_space<hbm>> -> memref<1x1x160x128xi32, #tpu.memory_space<hbm>>
      %dma_start3A_92 = tpu.memref_squeeze %dma_start3A_91 : memref<1x1x160x128xi32, #tpu.memory_space<hbm>> -> memref<160x128xi32, #tpu.memory_space<hbm>>
      tpu.enqueue_dma source(%dma_start3A_92 : memref<160x128xi32, #tpu.memory_space<hbm>>) target(%arg6 : memref<160x128xi32, #tpu.memory_space<vmem>>) target_semaphore(%run_scoped3A : memref<!tpu.dma_semaphore, #tpu.memory_space<semaphore_mem>>)
      %dma_wait3A_93 = arith.constant 0 : i32
      %dma_wait3A_94 = arith.constant 0 : i32
      %dma_wait3A_95 = tpu.memref_slice %arg3[%arg0, %arg1, %dma_wait3A_93, %dma_wait3A_94] : memref<2x16x160x128xi32, #tpu.memory_space<hbm>> -> memref<1x1x160x128xi32, #tpu.memory_space<hbm>>
      %dma_wait3A_96 = tpu.memref_squeeze %dma_wait3A_95 : memref<1x1x160x128xi32, #tpu.memory_space<hbm>> -> memref<160x128xi32, #tpu.memory_space<hbm>>
      %dma_wait3A_97 = arith.constant 0 : i32
      %dma_wait3A_98 = arith.constant 0 : i32
      %dma_wait3A_99 = tpu.memref_slice %arg3[%arg0, %arg1, %dma_wait3A_97, %dma_wait3A_98] : memref<2x16x160x128xi32, #tpu.memory_space<hbm>> -> memref<1x1x160x128xi32, #tpu.memory_space<hbm>>
      %dma_wait3A_100 = tpu.memref_squeeze %dma_wait3A_99 : memref<1x1x160x128xi32, #tpu.memory_space<hbm>> -> memref<160x128xi32, #tpu.memory_space<hbm>>
      tpu.wait_dma2 semaphore(%run_scoped3A : memref<!tpu.dma_semaphore, #tpu.memory_space<semaphore_mem>>) src(%dma_wait3A_100 : memref<160x128xi32, #tpu.memory_space<hbm>>) dst(%arg6 : memref<160x128xi32, #tpu.memory_space<vmem>>)
      tpu.yield
    }) : () -> ()
    "tpu.region"() ({
      %run_scoped3A = tpu.sem_alloc : memref<!tpu.dma_semaphore, #tpu.memory_space<semaphore_mem>>
      %dma_start3A_85 = arith.constant 0 : i32
      %dma_start3A_86 = arith.constant 0 : i32
      %dma_start3A_87 = tpu.memref_slice %arg4[%arg1, %dma_start3A_85, %dma_start3A_86] : memref<16x160x128xi32, #tpu.memory_space<hbm>> -> memref<1x160x128xi32, #tpu.memory_space<hbm>>
      %dma_start3A_88 = tpu.memref_squeeze %dma_start3A_87 : memref<1x160x128xi32, #tpu.memory_space<hbm>> -> memref<160x128xi32, #tpu.memory_space<hbm>>
      %dma_start3A_89 = arith.constant 0 : i32
      %dma_start3A_90 = arith.constant 0 : i32
      %dma_start3A_91 = tpu.memref_slice %arg4[%arg1, %dma_start3A_89, %dma_start3A_90] : memref<16x160x128xi32, #tpu.memory_space<hbm>> -> memref<1x160x128xi32, #tpu.memory_space<hbm>>
      %dma_start3A_92 = tpu.memref_squeeze %dma_start3A_91 : memref<1x160x128xi32, #tpu.memory_space<hbm>> -> memref<160x128xi32, #tpu.memory_space<hbm>>
      tpu.enqueue_dma source(%dma_start3A_92 : memref<160x128xi32, #tpu.memory_space<hbm>>) target(%arg7 : memref<160x128xi32, #tpu.memory_space<vmem>>) target_semaphore(%run_scoped3A : memref<!tpu.dma_semaphore, #tpu.memory_space<semaphore_mem>>)
      %dma_wait3A_93 = arith.constant 0 : i32
      %dma_wait3A_94 = arith.constant 0 : i32
      %dma_wait3A_95 = tpu.memref_slice %arg4[%arg1, %dma_wait3A_93, %dma_wait3A_94] : memref<16x160x128xi32, #tpu.memory_space<hbm>> -> memref<1x160x128xi32, #tpu.memory_space<hbm>>
      %dma_wait3A_96 = tpu.memref_squeeze %dma_wait3A_95 : memref<1x160x128xi32, #tpu.memory_space<hbm>> -> memref<160x128xi32, #tpu.memory_space<hbm>>
      %dma_wait3A_97 = arith.constant 0 : i32
      %dma_wait3A_98 = arith.constant 0 : i32
      %dma_wait3A_99 = tpu.memref_slice %arg4[%arg1, %dma_wait3A_97, %dma_wait3A_98] : memref<16x160x128xi32, #tpu.memory_space<hbm>> -> memref<1x160x128xi32, #tpu.memory_space<hbm>>
      %dma_wait3A_100 = tpu.memref_squeeze %dma_wait3A_99 : memref<1x160x128xi32, #tpu.memory_space<hbm>> -> memref<160x128xi32, #tpu.memory_space<hbm>>
      tpu.wait_dma2 semaphore(%run_scoped3A : memref<!tpu.dma_semaphore, #tpu.memory_space<semaphore_mem>>) src(%dma_wait3A_100 : memref<160x128xi32, #tpu.memory_space<hbm>>) dst(%arg7 : memref<160x128xi32, #tpu.memory_space<vmem>>)
      tpu.yield
    }) : () -> ()
    %barrier3A = arith.constant 0 : index
    tpu.barrier barrier_id(%barrier3A)
    %dma_start3A = arith.constant 0 : i32
    %dma_start3A_24 = arith.constant 0 : i32
    %dma_start3A_25 = tpu.memref_slice %arg6[%dma_start3A, %dma_start3A_24] : memref<160x128xi32, #tpu.memory_space<vmem>> -> memref<1x128xi32, #tpu.memory_space<vmem>>
    %dma_start3A_26 = tpu.memref_squeeze %dma_start3A_25 : memref<1x128xi32, #tpu.memory_space<vmem>> -> memref<128xi32, #tpu.memory_space<vmem>>
    %dma_start3A_27 = arith.constant 0 : i32
    %dma_start3A_28 = arith.constant 0 : i32
    %dma_start3A_29 = tpu.memref_slice %arg2[%dma_start3A_27, %dma_start3A_28] : memref<20000x72xf32, #tpu.memory_space<hbm>> -> memref<20000x72xf32, #tpu.memory_space<hbm>>
    tpu.enqueue_indirect_dma source(%dma_start3A_29 : memref<20000x72xf32, #tpu.memory_space<hbm>>) target(%arg8 : memref<128x72xf32, #tpu.memory_space<vmem>>) offsets(%dma_start3A_26 : memref<128xi32, #tpu.memory_space<vmem>>) semaphore(%arg13 : memref<!tpu.dma_semaphore, #tpu.memory_space<semaphore_mem>>)
    %dma_start3A_30 = arith.constant 1 : i32
    %dma_start3A_31 = arith.constant 0 : i32
    %dma_start3A_32 = tpu.memref_slice %arg6[%dma_start3A_30, %dma_start3A_31] : memref<160x128xi32, #tpu.memory_space<vmem>> -> memref<1x128xi32, #tpu.memory_space<vmem>>
    %dma_start3A_33 = tpu.memref_squeeze %dma_start3A_32 : memref<1x128xi32, #tpu.memory_space<vmem>> -> memref<128xi32, #tpu.memory_space<vmem>>
    %dma_start3A_34 = arith.constant 0 : i32
    %dma_start3A_35 = arith.constant 0 : i32
    %dma_start3A_36 = tpu.memref_slice %arg2[%dma_start3A_34, %dma_start3A_35] : memref<20000x72xf32, #tpu.memory_space<hbm>> -> memref<20000x72xf32, #tpu.memory_space<hbm>>
    tpu.enqueue_indirect_dma source(%dma_start3A_36 : memref<20000x72xf32, #tpu.memory_space<hbm>>) target(%arg9 : memref<128x72xf32, #tpu.memory_space<vmem>>) offsets(%dma_start3A_33 : memref<128xi32, #tpu.memory_space<vmem>>) semaphore(%arg14 : memref<!tpu.dma_semaphore, #tpu.memory_space<semaphore_mem>>)
    %dma_start3A_37 = arith.constant 2 : i32
    %dma_start3A_38 = arith.constant 0 : i32
    %dma_start3A_39 = tpu.memref_slice %arg6[%dma_start3A_37, %dma_start3A_38] : memref<160x128xi32, #tpu.memory_space<vmem>> -> memref<1x128xi32, #tpu.memory_space<vmem>>
    %dma_start3A_40 = tpu.memref_squeeze %dma_start3A_39 : memref<1x128xi32, #tpu.memory_space<vmem>> -> memref<128xi32, #tpu.memory_space<vmem>>
    %dma_start3A_41 = arith.constant 0 : i32
    %dma_start3A_42 = arith.constant 0 : i32
    %dma_start3A_43 = tpu.memref_slice %arg2[%dma_start3A_41, %dma_start3A_42] : memref<20000x72xf32, #tpu.memory_space<hbm>> -> memref<20000x72xf32, #tpu.memory_space<hbm>>
    tpu.enqueue_indirect_dma source(%dma_start3A_43 : memref<20000x72xf32, #tpu.memory_space<hbm>>) target(%arg10 : memref<128x72xf32, #tpu.memory_space<vmem>>) offsets(%dma_start3A_40 : memref<128xi32, #tpu.memory_space<vmem>>) semaphore(%arg15 : memref<!tpu.dma_semaphore, #tpu.memory_space<semaphore_mem>>)
    %dma_start3A_44 = arith.constant 3 : i32
    %dma_start3A_45 = arith.constant 0 : i32
    %dma_start3A_46 = tpu.memref_slice %arg6[%dma_start3A_44, %dma_start3A_45] : memref<160x128xi32, #tpu.memory_space<vmem>> -> memref<1x128xi32, #tpu.memory_space<vmem>>
    %dma_start3A_47 = tpu.memref_squeeze %dma_start3A_46 : memref<1x128xi32, #tpu.memory_space<vmem>> -> memref<128xi32, #tpu.memory_space<vmem>>
    %dma_start3A_48 = arith.constant 0 : i32
    %dma_start3A_49 = arith.constant 0 : i32
    %dma_start3A_50 = tpu.memref_slice %arg2[%dma_start3A_48, %dma_start3A_49] : memref<20000x72xf32, #tpu.memory_space<hbm>> -> memref<20000x72xf32, #tpu.memory_space<hbm>>
    tpu.enqueue_indirect_dma source(%dma_start3A_50 : memref<20000x72xf32, #tpu.memory_space<hbm>>) target(%arg11 : memref<128x72xf32, #tpu.memory_space<vmem>>) offsets(%dma_start3A_47 : memref<128xi32, #tpu.memory_space<vmem>>) semaphore(%arg16 : memref<!tpu.dma_semaphore, #tpu.memory_space<semaphore_mem>>)
    %scan3A_51 = arith.constant 0 : i32
    %scan3A_52 = arith.constant 0 : i32
    %scan3A_53 = arith.constant 40 : i32
    %scan3A_54 = arith.addi %scan3A_52, %scan3A_53 : i32
    %scan3A_55 = arith.constant 1 : i32
    scf.for %scan3A_85 = %scan3A_52 to %scan3A_54 step %scan3A_55  : i32 {
      %mul3A_86 = arith.constant 4 : i32
      %mul3A_87 = arith.muli %mul3A_86, %scan3A_85 : i32
      %add3A_88 = arith.constant 0 : i32
      %add3A_89 = arith.addi %mul3A_87, %add3A_88 : i32
      %dma_wait3A_90 = arith.constant 0 : i32
      %dma_wait3A_91 = arith.constant 0 : i32
      %dma_wait3A_92 = tpu.memref_slice %arg2[%dma_wait3A_90, %dma_wait3A_91] : memref<20000x72xf32, #tpu.memory_space<hbm>> -> memref<128x72xf32, #tpu.memory_space<hbm>>
      %dma_wait3A_93 = arith.constant 0 : i32
      %dma_wait3A_94 = arith.constant 0 : i32
      %dma_wait3A_95 = tpu.memref_slice %arg2[%dma_wait3A_93, %dma_wait3A_94] : memref<20000x72xf32, #tpu.memory_space<hbm>> -> memref<128x72xf32, #tpu.memory_space<hbm>>
      tpu.wait_dma2 semaphore(%arg13 : memref<!tpu.dma_semaphore, #tpu.memory_space<semaphore_mem>>) src(%dma_wait3A_95 : memref<128x72xf32, #tpu.memory_space<hbm>>) dst(%arg8 : memref<128x72xf32, #tpu.memory_space<vmem>>)
      "tpu.region"() ({
        %run_scoped3A = tpu.sem_alloc : memref<!tpu.dma_semaphore, #tpu.memory_space<semaphore_mem>>
        %dma_start3A_165 = arith.constant 0 : i32
        %dma_start3A_166 = tpu.memref_slice %arg7[%add3A_89, %dma_start3A_165] : memref<160x128xi32, #tpu.memory_space<vmem>> -> memref<1x128xi32, #tpu.memory_space<vmem>>
        %dma_start3A_167 = tpu.memref_squeeze %dma_start3A_166 : memref<1x128xi32, #tpu.memory_space<vmem>> -> memref<128xi32, #tpu.memory_space<vmem>>
        %dma_start3A_168 = arith.constant 0 : i32
        %dma_start3A_169 = arith.constant 0 : i32
        %dma_start3A_170 = tpu.memref_slice %arg12[%dma_start3A_168, %dma_start3A_169] : memref<10128x72xf32, #tpu.memory_space<vmem_shared>> -> memref<10128x72xf32, #tpu.memory_space<vmem_shared>>
        tpu.enqueue_indirect_dma source(%arg8 : memref<128x72xf32, #tpu.memory_space<vmem>>) target(%dma_start3A_170 : memref<10128x72xf32, #tpu.memory_space<vmem_shared>>) offsets(%dma_start3A_167 : memref<128xi32, #tpu.memory_space<vmem>>) semaphore(%run_scoped3A : memref<!tpu.dma_semaphore, #tpu.memory_space<semaphore_mem>>) {add = true}
        %dma_wait3A_171 = arith.constant 0 : i32
        %dma_wait3A_172 = tpu.memref_slice %arg7[%add3A_89, %dma_wait3A_171] : memref<160x128xi32, #tpu.memory_space<vmem>> -> memref<1x128xi32, #tpu.memory_space<vmem>>
        %dma_wait3A_173 = tpu.memref_squeeze %dma_wait3A_172 : memref<1x128xi32, #tpu.memory_space<vmem>> -> memref<128xi32, #tpu.memory_space<vmem>>
        %dma_wait3A_174 = arith.constant 0 : i32
        %dma_wait3A_175 = arith.constant 0 : i32
        %dma_wait3A_176 = tpu.memref_slice %arg12[%dma_wait3A_174, %dma_wait3A_175] : memref<10128x72xf32, #tpu.memory_space<vmem_shared>> -> memref<10128x72xf32, #tpu.memory_space<vmem_shared>>
        tpu.wait_indirect_dma semaphore(%run_scoped3A : memref<!tpu.dma_semaphore, #tpu.memory_space<semaphore_mem>>) src(%arg8 : memref<128x72xf32, #tpu.memory_space<vmem>>) dst(%dma_wait3A_176 : memref<10128x72xf32, #tpu.memory_space<vmem_shared>>)
        tpu.yield
      }) : () -> ()
      %add3A_96 = arith.constant 4 : i32
      %add3A_97 = arith.addi %add3A_89, %add3A_96 : i32
      %rem3A = arith.constant 160 : i32
      %rem3A_98 = arith.remsi %add3A_97, %rem3A : i32
      %dma_start3A_99 = arith.constant 0 : i32
      %dma_start3A_100 = tpu.memref_slice %arg6[%rem3A_98, %dma_start3A_99] : memref<160x128xi32, #tpu.memory_space<vmem>> -> memref<1x128xi32, #tpu.memory_space<vmem>>
      %dma_start3A_101 = tpu.memref_squeeze %dma_start3A_100 : memref<1x128xi32, #tpu.memory_space<vmem>> -> memref<128xi32, #tpu.memory_space<vmem>>
      %dma_start3A_102 = arith.constant 0 : i32
      %dma_start3A_103 = arith.constant 0 : i32
      %dma_start3A_104 = tpu.memref_slice %arg2[%dma_start3A_102, %dma_start3A_103] : memref<20000x72xf32, #tpu.memory_space<hbm>> -> memref<20000x72xf32, #tpu.memory_space<hbm>>
      tpu.enqueue_indirect_dma source(%dma_start3A_104 : memref<20000x72xf32, #tpu.memory_space<hbm>>) target(%arg8 : memref<128x72xf32, #tpu.memory_space<vmem>>) offsets(%dma_start3A_101 : memref<128xi32, #tpu.memory_space<vmem>>) semaphore(%arg13 : memref<!tpu.dma_semaphore, #tpu.memory_space<semaphore_mem>>)
      %mul3A_105 = arith.constant 4 : i32
      %mul3A_106 = arith.muli %mul3A_105, %scan3A_85 : i32
      %add3A_107 = arith.constant 1 : i32
      %add3A_108 = arith.addi %mul3A_106, %add3A_107 : i32
      %dma_wait3A_109 = arith.constant 0 : i32
      %dma_wait3A_110 = arith.constant 0 : i32
      %dma_wait3A_111 = tpu.memref_slice %arg2[%dma_wait3A_109, %dma_wait3A_110] : memref<20000x72xf32, #tpu.memory_space<hbm>> -> memref<128x72xf32, #tpu.memory_space<hbm>>
      %dma_wait3A_112 = arith.constant 0 : i32
      %dma_wait3A_113 = arith.constant 0 : i32
      %dma_wait3A_114 = tpu.memref_slice %arg2[%dma_wait3A_112, %dma_wait3A_113] : memref<20000x72xf32, #tpu.memory_space<hbm>> -> memref<128x72xf32, #tpu.memory_space<hbm>>
      tpu.wait_dma2 semaphore(%arg14 : memref<!tpu.dma_semaphore, #tpu.memory_space<semaphore_mem>>) src(%dma_wait3A_114 : memref<128x72xf32, #tpu.memory_space<hbm>>) dst(%arg9 : memref<128x72xf32, #tpu.memory_space<vmem>>)
      "tpu.region"() ({
        %run_scoped3A = tpu.sem_alloc : memref<!tpu.dma_semaphore, #tpu.memory_space<semaphore_mem>>
        %dma_start3A_165 = arith.constant 0 : i32
        %dma_start3A_166 = tpu.memref_slice %arg7[%add3A_108, %dma_start3A_165] : memref<160x128xi32, #tpu.memory_space<vmem>> -> memref<1x128xi32, #tpu.memory_space<vmem>>
        %dma_start3A_167 = tpu.memref_squeeze %dma_start3A_166 : memref<1x128xi32, #tpu.memory_space<vmem>> -> memref<128xi32, #tpu.memory_space<vmem>>
        %dma_start3A_168 = arith.constant 0 : i32
        %dma_start3A_169 = arith.constant 0 : i32
        %dma_start3A_170 = tpu.memref_slice %arg12[%dma_start3A_168, %dma_start3A_169] : memref<10128x72xf32, #tpu.memory_space<vmem_shared>> -> memref<10128x72xf32, #tpu.memory_space<vmem_shared>>
        tpu.enqueue_indirect_dma source(%arg9 : memref<128x72xf32, #tpu.memory_space<vmem>>) target(%dma_start3A_170 : memref<10128x72xf32, #tpu.memory_space<vmem_shared>>) offsets(%dma_start3A_167 : memref<128xi32, #tpu.memory_space<vmem>>) semaphore(%run_scoped3A : memref<!tpu.dma_semaphore, #tpu.memory_space<semaphore_mem>>) {add = true}
        %dma_wait3A_171 = arith.constant 0 : i32
        %dma_wait3A_172 = tpu.memref_slice %arg7[%add3A_108, %dma_wait3A_171] : memref<160x128xi32, #tpu.memory_space<vmem>> -> memref<1x128xi32, #tpu.memory_space<vmem>>
        %dma_wait3A_173 = tpu.memref_squeeze %dma_wait3A_172 : memref<1x128xi32, #tpu.memory_space<vmem>> -> memref<128xi32, #tpu.memory_space<vmem>>
        %dma_wait3A_174 = arith.constant 0 : i32
        %dma_wait3A_175 = arith.constant 0 : i32
        %dma_wait3A_176 = tpu.memref_slice %arg12[%dma_wait3A_174, %dma_wait3A_175] : memref<10128x72xf32, #tpu.memory_space<vmem_shared>> -> memref<10128x72xf32, #tpu.memory_space<vmem_shared>>
        tpu.wait_indirect_dma semaphore(%run_scoped3A : memref<!tpu.dma_semaphore, #tpu.memory_space<semaphore_mem>>) src(%arg9 : memref<128x72xf32, #tpu.memory_space<vmem>>) dst(%dma_wait3A_176 : memref<10128x72xf32, #tpu.memory_space<vmem_shared>>)
        tpu.yield
      }) : () -> ()
      %add3A_115 = arith.constant 4 : i32
      %add3A_116 = arith.addi %add3A_108, %add3A_115 : i32
      %rem3A_117 = arith.constant 160 : i32
      %rem3A_118 = arith.remsi %add3A_116, %rem3A_117 : i32
      %dma_start3A_119 = arith.constant 0 : i32
      %dma_start3A_120 = tpu.memref_slice %arg6[%rem3A_118, %dma_start3A_119] : memref<160x128xi32, #tpu.memory_space<vmem>> -> memref<1x128xi32, #tpu.memory_space<vmem>>
      %dma_start3A_121 = tpu.memref_squeeze %dma_start3A_120 : memref<1x128xi32, #tpu.memory_space<vmem>> -> memref<128xi32, #tpu.memory_space<vmem>>
      %dma_start3A_122 = arith.constant 0 : i32
      %dma_start3A_123 = arith.constant 0 : i32
      %dma_start3A_124 = tpu.memref_slice %arg2[%dma_start3A_122, %dma_start3A_123] : memref<20000x72xf32, #tpu.memory_space<hbm>> -> memref<20000x72xf32, #tpu.memory_space<hbm>>
      tpu.enqueue_indirect_dma source(%dma_start3A_124 : memref<20000x72xf32, #tpu.memory_space<hbm>>) target(%arg9 : memref<128x72xf32, #tpu.memory_space<vmem>>) offsets(%dma_start3A_121 : memref<128xi32, #tpu.memory_space<vmem>>) semaphore(%arg14 : memref<!tpu.dma_semaphore, #tpu.memory_space<semaphore_mem>>)
      %mul3A_125 = arith.constant 4 : i32
      %mul3A_126 = arith.muli %mul3A_125, %scan3A_85 : i32
      %add3A_127 = arith.constant 2 : i32
      %add3A_128 = arith.addi %mul3A_126, %add3A_127 : i32
      %dma_wait3A_129 = arith.constant 0 : i32
      %dma_wait3A_130 = arith.constant 0 : i32
      %dma_wait3A_131 = tpu.memref_slice %arg2[%dma_wait3A_129, %dma_wait3A_130] : memref<20000x72xf32, #tpu.memory_space<hbm>> -> memref<128x72xf32, #tpu.memory_space<hbm>>
      %dma_wait3A_132 = arith.constant 0 : i32
      %dma_wait3A_133 = arith.constant 0 : i32
      %dma_wait3A_134 = tpu.memref_slice %arg2[%dma_wait3A_132, %dma_wait3A_133] : memref<20000x72xf32, #tpu.memory_space<hbm>> -> memref<128x72xf32, #tpu.memory_space<hbm>>
      tpu.wait_dma2 semaphore(%arg15 : memref<!tpu.dma_semaphore, #tpu.memory_space<semaphore_mem>>) src(%dma_wait3A_134 : memref<128x72xf32, #tpu.memory_space<hbm>>) dst(%arg10 : memref<128x72xf32, #tpu.memory_space<vmem>>)
      "tpu.region"() ({
        %run_scoped3A = tpu.sem_alloc : memref<!tpu.dma_semaphore, #tpu.memory_space<semaphore_mem>>
        %dma_start3A_165 = arith.constant 0 : i32
        %dma_start3A_166 = tpu.memref_slice %arg7[%add3A_128, %dma_start3A_165] : memref<160x128xi32, #tpu.memory_space<vmem>> -> memref<1x128xi32, #tpu.memory_space<vmem>>
        %dma_start3A_167 = tpu.memref_squeeze %dma_start3A_166 : memref<1x128xi32, #tpu.memory_space<vmem>> -> memref<128xi32, #tpu.memory_space<vmem>>
        %dma_start3A_168 = arith.constant 0 : i32
        %dma_start3A_169 = arith.constant 0 : i32
        %dma_start3A_170 = tpu.memref_slice %arg12[%dma_start3A_168, %dma_start3A_169] : memref<10128x72xf32, #tpu.memory_space<vmem_shared>> -> memref<10128x72xf32, #tpu.memory_space<vmem_shared>>
        tpu.enqueue_indirect_dma source(%arg10 : memref<128x72xf32, #tpu.memory_space<vmem>>) target(%dma_start3A_170 : memref<10128x72xf32, #tpu.memory_space<vmem_shared>>) offsets(%dma_start3A_167 : memref<128xi32, #tpu.memory_space<vmem>>) semaphore(%run_scoped3A : memref<!tpu.dma_semaphore, #tpu.memory_space<semaphore_mem>>) {add = true}
        %dma_wait3A_171 = arith.constant 0 : i32
        %dma_wait3A_172 = tpu.memref_slice %arg7[%add3A_128, %dma_wait3A_171] : memref<160x128xi32, #tpu.memory_space<vmem>> -> memref<1x128xi32, #tpu.memory_space<vmem>>
        %dma_wait3A_173 = tpu.memref_squeeze %dma_wait3A_172 : memref<1x128xi32, #tpu.memory_space<vmem>> -> memref<128xi32, #tpu.memory_space<vmem>>
        %dma_wait3A_174 = arith.constant 0 : i32
        %dma_wait3A_175 = arith.constant 0 : i32
        %dma_wait3A_176 = tpu.memref_slice %arg12[%dma_wait3A_174, %dma_wait3A_175] : memref<10128x72xf32, #tpu.memory_space<vmem_shared>> -> memref<10128x72xf32, #tpu.memory_space<vmem_shared>>
        tpu.wait_indirect_dma semaphore(%run_scoped3A : memref<!tpu.dma_semaphore, #tpu.memory_space<semaphore_mem>>) src(%arg10 : memref<128x72xf32, #tpu.memory_space<vmem>>) dst(%dma_wait3A_176 : memref<10128x72xf32, #tpu.memory_space<vmem_shared>>)
        tpu.yield
      }) : () -> ()
      %add3A_135 = arith.constant 4 : i32
      %add3A_136 = arith.addi %add3A_128, %add3A_135 : i32
      %rem3A_137 = arith.constant 160 : i32
      %rem3A_138 = arith.remsi %add3A_136, %rem3A_137 : i32
      %dma_start3A_139 = arith.constant 0 : i32
      %dma_start3A_140 = tpu.memref_slice %arg6[%rem3A_138, %dma_start3A_139] : memref<160x128xi32, #tpu.memory_space<vmem>> -> memref<1x128xi32, #tpu.memory_space<vmem>>
      %dma_start3A_141 = tpu.memref_squeeze %dma_start3A_140 : memref<1x128xi32, #tpu.memory_space<vmem>> -> memref<128xi32, #tpu.memory_space<vmem>>
      %dma_start3A_142 = arith.constant 0 : i32
      %dma_start3A_143 = arith.constant 0 : i32
      %dma_start3A_144 = tpu.memref_slice %arg2[%dma_start3A_142, %dma_start3A_143] : memref<20000x72xf32, #tpu.memory_space<hbm>> -> memref<20000x72xf32, #tpu.memory_space<hbm>>
      tpu.enqueue_indirect_dma source(%dma_start3A_144 : memref<20000x72xf32, #tpu.memory_space<hbm>>) target(%arg10 : memref<128x72xf32, #tpu.memory_space<vmem>>) offsets(%dma_start3A_141 : memref<128xi32, #tpu.memory_space<vmem>>) semaphore(%arg15 : memref<!tpu.dma_semaphore, #tpu.memory_space<semaphore_mem>>)
      %mul3A_145 = arith.constant 4 : i32
      %mul3A_146 = arith.muli %mul3A_145, %scan3A_85 : i32
      %add3A_147 = arith.constant 3 : i32
      %add3A_148 = arith.addi %mul3A_146, %add3A_147 : i32
      %dma_wait3A_149 = arith.constant 0 : i32
      %dma_wait3A_150 = arith.constant 0 : i32
      %dma_wait3A_151 = tpu.memref_slice %arg2[%dma_wait3A_149, %dma_wait3A_150] : memref<20000x72xf32, #tpu.memory_space<hbm>> -> memref<128x72xf32, #tpu.memory_space<hbm>>
      %dma_wait3A_152 = arith.constant 0 : i32
      %dma_wait3A_153 = arith.constant 0 : i32
      %dma_wait3A_154 = tpu.memref_slice %arg2[%dma_wait3A_152, %dma_wait3A_153] : memref<20000x72xf32, #tpu.memory_space<hbm>> -> memref<128x72xf32, #tpu.memory_space<hbm>>
      tpu.wait_dma2 semaphore(%arg16 : memref<!tpu.dma_semaphore, #tpu.memory_space<semaphore_mem>>) src(%dma_wait3A_154 : memref<128x72xf32, #tpu.memory_space<hbm>>) dst(%arg11 : memref<128x72xf32, #tpu.memory_space<vmem>>)
      "tpu.region"() ({
        %run_scoped3A = tpu.sem_alloc : memref<!tpu.dma_semaphore, #tpu.memory_space<semaphore_mem>>
        %dma_start3A_165 = arith.constant 0 : i32
        %dma_start3A_166 = tpu.memref_slice %arg7[%add3A_148, %dma_start3A_165] : memref<160x128xi32, #tpu.memory_space<vmem>> -> memref<1x128xi32, #tpu.memory_space<vmem>>
        %dma_start3A_167 = tpu.memref_squeeze %dma_start3A_166 : memref<1x128xi32, #tpu.memory_space<vmem>> -> memref<128xi32, #tpu.memory_space<vmem>>
        %dma_start3A_168 = arith.constant 0 : i32
        %dma_start3A_169 = arith.constant 0 : i32
        %dma_start3A_170 = tpu.memref_slice %arg12[%dma_start3A_168, %dma_start3A_169] : memref<10128x72xf32, #tpu.memory_space<vmem_shared>> -> memref<10128x72xf32, #tpu.memory_space<vmem_shared>>
        tpu.enqueue_indirect_dma source(%arg11 : memref<128x72xf32, #tpu.memory_space<vmem>>) target(%dma_start3A_170 : memref<10128x72xf32, #tpu.memory_space<vmem_shared>>) offsets(%dma_start3A_167 : memref<128xi32, #tpu.memory_space<vmem>>) semaphore(%run_scoped3A : memref<!tpu.dma_semaphore, #tpu.memory_space<semaphore_mem>>) {add = true}
        %dma_wait3A_171 = arith.constant 0 : i32
        %dma_wait3A_172 = tpu.memref_slice %arg7[%add3A_148, %dma_wait3A_171] : memref<160x128xi32, #tpu.memory_space<vmem>> -> memref<1x128xi32, #tpu.memory_space<vmem>>
        %dma_wait3A_173 = tpu.memref_squeeze %dma_wait3A_172 : memref<1x128xi32, #tpu.memory_space<vmem>> -> memref<128xi32, #tpu.memory_space<vmem>>
        %dma_wait3A_174 = arith.constant 0 : i32
        %dma_wait3A_175 = arith.constant 0 : i32
        %dma_wait3A_176 = tpu.memref_slice %arg12[%dma_wait3A_174, %dma_wait3A_175] : memref<10128x72xf32, #tpu.memory_space<vmem_shared>> -> memref<10128x72xf32, #tpu.memory_space<vmem_shared>>
        tpu.wait_indirect_dma semaphore(%run_scoped3A : memref<!tpu.dma_semaphore, #tpu.memory_space<semaphore_mem>>) src(%arg11 : memref<128x72xf32, #tpu.memory_space<vmem>>) dst(%dma_wait3A_176 : memref<10128x72xf32, #tpu.memory_space<vmem_shared>>)
        tpu.yield
      }) : () -> ()
      %add3A_155 = arith.constant 4 : i32
      %add3A_156 = arith.addi %add3A_148, %add3A_155 : i32
      %rem3A_157 = arith.constant 160 : i32
      %rem3A_158 = arith.remsi %add3A_156, %rem3A_157 : i32
      %dma_start3A_159 = arith.constant 0 : i32
      %dma_start3A_160 = tpu.memref_slice %arg6[%rem3A_158, %dma_start3A_159] : memref<160x128xi32, #tpu.memory_space<vmem>> -> memref<1x128xi32, #tpu.memory_space<vmem>>
      %dma_start3A_161 = tpu.memref_squeeze %dma_start3A_160 : memref<1x128xi32, #tpu.memory_space<vmem>> -> memref<128xi32, #tpu.memory_space<vmem>>
      %dma_start3A_162 = arith.constant 0 : i32
      %dma_start3A_163 = arith.constant 0 : i32
      %dma_start3A_164 = tpu.memref_slice %arg2[%dma_start3A_162, %dma_start3A_163] : memref<20000x72xf32, #tpu.memory_space<hbm>> -> memref<20000x72xf32, #tpu.memory_space<hbm>>
      tpu.enqueue_indirect_dma source(%dma_start3A_164 : memref<20000x72xf32, #tpu.memory_space<hbm>>) target(%arg11 : memref<128x72xf32, #tpu.memory_space<vmem>>) offsets(%dma_start3A_161 : memref<128xi32, #tpu.memory_space<vmem>>) semaphore(%arg16 : memref<!tpu.dma_semaphore, #tpu.memory_space<semaphore_mem>>)
    }
    %scan3A_56 = arith.constant 40 : i32
    %dma_wait3A = arith.constant 0 : i32
    %dma_wait3A_57 = arith.constant 0 : i32
    %dma_wait3A_58 = tpu.memref_slice %arg2[%dma_wait3A, %dma_wait3A_57] : memref<20000x72xf32, #tpu.memory_space<hbm>> -> memref<128x72xf32, #tpu.memory_space<hbm>>
    %dma_wait3A_59 = arith.constant 0 : i32
    %dma_wait3A_60 = arith.constant 0 : i32
    %dma_wait3A_61 = tpu.memref_slice %arg2[%dma_wait3A_59, %dma_wait3A_60] : memref<20000x72xf32, #tpu.memory_space<hbm>> -> memref<128x72xf32, #tpu.memory_space<hbm>>
    tpu.wait_dma2 semaphore(%arg13 : memref<!tpu.dma_semaphore, #tpu.memory_space<semaphore_mem>>) src(%dma_wait3A_61 : memref<128x72xf32, #tpu.memory_space<hbm>>) dst(%arg8 : memref<128x72xf32, #tpu.memory_space<vmem>>)
    %dma_wait3A_62 = arith.constant 0 : i32
    %dma_wait3A_63 = arith.constant 0 : i32
    %dma_wait3A_64 = tpu.memref_slice %arg2[%dma_wait3A_62, %dma_wait3A_63] : memref<20000x72xf32, #tpu.memory_space<hbm>> -> memref<128x72xf32, #tpu.memory_space<hbm>>
    %dma_wait3A_65 = arith.constant 0 : i32
    %dma_wait3A_66 = arith.constant 0 : i32
    %dma_wait3A_67 = tpu.memref_slice %arg2[%dma_wait3A_65, %dma_wait3A_66] : memref<20000x72xf32, #tpu.memory_space<hbm>> -> memref<128x72xf32, #tpu.memory_space<hbm>>
    tpu.wait_dma2 semaphore(%arg14 : memref<!tpu.dma_semaphore, #tpu.memory_space<semaphore_mem>>) src(%dma_wait3A_67 : memref<128x72xf32, #tpu.memory_space<hbm>>) dst(%arg9 : memref<128x72xf32, #tpu.memory_space<vmem>>)
    %dma_wait3A_68 = arith.constant 0 : i32
    %dma_wait3A_69 = arith.constant 0 : i32
    %dma_wait3A_70 = tpu.memref_slice %arg2[%dma_wait3A_68, %dma_wait3A_69] : memref<20000x72xf32, #tpu.memory_space<hbm>> -> memref<128x72xf32, #tpu.memory_space<hbm>>
    %dma_wait3A_71 = arith.constant 0 : i32
    %dma_wait3A_72 = arith.constant 0 : i32
    %dma_wait3A_73 = tpu.memref_slice %arg2[%dma_wait3A_71, %dma_wait3A_72] : memref<20000x72xf32, #tpu.memory_space<hbm>> -> memref<128x72xf32, #tpu.memory_space<hbm>>
    tpu.wait_dma2 semaphore(%arg15 : memref<!tpu.dma_semaphore, #tpu.memory_space<semaphore_mem>>) src(%dma_wait3A_73 : memref<128x72xf32, #tpu.memory_space<hbm>>) dst(%arg10 : memref<128x72xf32, #tpu.memory_space<vmem>>)
    %dma_wait3A_74 = arith.constant 0 : i32
    %dma_wait3A_75 = arith.constant 0 : i32
    %dma_wait3A_76 = tpu.memref_slice %arg2[%dma_wait3A_74, %dma_wait3A_75] : memref<20000x72xf32, #tpu.memory_space<hbm>> -> memref<128x72xf32, #tpu.memory_space<hbm>>
    %dma_wait3A_77 = arith.constant 0 : i32
    %dma_wait3A_78 = arith.constant 0 : i32
    %dma_wait3A_79 = tpu.memref_slice %arg2[%dma_wait3A_77, %dma_wait3A_78] : memref<20000x72xf32, #tpu.memory_space<hbm>> -> memref<128x72xf32, #tpu.memory_space<hbm>>
    tpu.wait_dma2 semaphore(%arg16 : memref<!tpu.dma_semaphore, #tpu.memory_space<semaphore_mem>>) src(%dma_wait3A_79 : memref<128x72xf32, #tpu.memory_space<hbm>>) dst(%arg11 : memref<128x72xf32, #tpu.memory_space<vmem>>)
    %barrier3A_80 = arith.constant 0 : index
    tpu.barrier barrier_id(%barrier3A_80)
    %mul3A_81 = arith.constant 625 : i32
    %mul3A_82 = arith.muli %arg1, %mul3A_81 : i32
    %mul3A_83 = arith.constant 625 : i32
    %mul3A_84 = arith.muli %arg1, %mul3A_83 : i32
    "tpu.region"() ({
      %run_scoped3A = tpu.sem_alloc : memref<!tpu.dma_semaphore, #tpu.memory_space<semaphore_mem>>
      %dma_start3A_85 = arith.constant 0 : i32
      %dma_start3A_86 = tpu.memref_slice %arg5[%arg0, %mul3A_84, %dma_start3A_85] : memref<2x10000x72xf32, #tpu.memory_space<hbm>> -> memref<1x625x72xf32, #tpu.memory_space<hbm>>
      %dma_start3A_87 = tpu.memref_squeeze %dma_start3A_86 : memref<1x625x72xf32, #tpu.memory_space<hbm>> -> memref<625x72xf32, #tpu.memory_space<hbm>>
      %dma_start3A_88 = arith.constant 0 : i32
      %dma_start3A_89 = tpu.memref_slice %arg12[%mul3A_82, %dma_start3A_88] : memref<10128x72xf32, #tpu.memory_space<vmem_shared>> -> memref<625x72xf32, #tpu.memory_space<vmem_shared>>
      tpu.enqueue_dma source(%dma_start3A_89 : memref<625x72xf32, #tpu.memory_space<vmem_shared>>) target(%dma_start3A_87 : memref<625x72xf32, #tpu.memory_space<hbm>>) target_semaphore(%run_scoped3A : memref<!tpu.dma_semaphore, #tpu.memory_space<semaphore_mem>>)
      %dma_wait3A_90 = arith.constant 0 : i32
      %dma_wait3A_91 = tpu.memref_slice %arg5[%arg0, %mul3A_84, %dma_wait3A_90] : memref<2x10000x72xf32, #tpu.memory_space<hbm>> -> memref<1x625x72xf32, #tpu.memory_space<hbm>>
      %dma_wait3A_92 = tpu.memref_squeeze %dma_wait3A_91 : memref<1x625x72xf32, #tpu.memory_space<hbm>> -> memref<625x72xf32, #tpu.memory_space<hbm>>
      %dma_wait3A_93 = arith.constant 0 : i32
      %dma_wait3A_94 = tpu.memref_slice %arg12[%mul3A_82, %dma_wait3A_93] : memref<10128x72xf32, #tpu.memory_space<vmem_shared>> -> memref<625x72xf32, #tpu.memory_space<vmem_shared>>
      tpu.wait_dma2 semaphore(%run_scoped3A : memref<!tpu.dma_semaphore, #tpu.memory_space<semaphore_mem>>) src(%dma_wait3A_94 : memref<625x72xf32, #tpu.memory_space<vmem_shared>>) dst(%dma_wait3A_92 : memref<625x72xf32, #tpu.memory_space<hbm>>)
      tpu.yield
    }) : () -> ()
    return
  }
}

module attributes {stable_mosaic.version = 14 : i64} {
  func.func @_tc_layer_body(%arg0: i32, %arg1: memref<1x2000x72xf32, #tpu.memory_space<vmem>>, %arg2: memref<1x2000x72xf32, #tpu.memory_space<vmem>>, %arg3: memref<1x2000x72xf32, #tpu.memory_space<vmem>>, %arg4: memref<1x2000x72xf32, #tpu.memory_space<vmem>>, %arg5: memref<128x128xf32, #tpu.memory_space<vmem>>, %arg6: memref<128x128xf32, #tpu.memory_space<vmem>>, %arg7: memref<1x128xf32, #tpu.memory_space<vmem>>, %arg8: memref<2x2000x64xf32, #tpu.memory_space<vmem>>) attributes {dimension_semantics = [#tpu.dimension_semantics<arbitrary>], iteration_bounds = array<i64: 5>, scalar_prefetch = 0 : i64, scratch_operands = 0 : i64, tpu.core_type = #tpu.core_type<tc>, window_params = [{transform_indices = @transform_0, window_bounds = array<i64: 1, 2000, 72>}, {transform_indices = @transform_1, window_bounds = array<i64: 1, 2000, 72>}, {transform_indices = @transform_2, window_bounds = array<i64: 1, 2000, 72>}, {transform_indices = @transform_3, window_bounds = array<i64: 1, 2000, 72>}, {pipeline_mode = #tpu.pipeline_mode<synchronous>, transform_indices = @transform_4, window_bounds = array<i64: 128, 128>}, {pipeline_mode = #tpu.pipeline_mode<synchronous>, transform_indices = @transform_5, window_bounds = array<i64: 128, 128>}, {pipeline_mode = #tpu.pipeline_mode<synchronous>, transform_indices = @transform_6, window_bounds = array<i64: 1, 128>}, {transform_indices = @transform_7, window_bounds = array<i64: 2, 2000, 64>}]} {
    %get3A = arith.constant 0 : index
    %get3A_0 = arith.constant 0 : index
    %get3A_1 = arith.constant 0 : index
    %get3A_2 = vector.load %arg1[%get3A, %get3A_0, %get3A_1] : memref<1x2000x72xf32, #tpu.memory_space<vmem>>, vector<1x2000x72xf32>
    %get3A_3 = vector.shape_cast %get3A_2 : vector<1x2000x72xf32> to vector<2000x72xf32>
    %get3A_4 = arith.constant 0 : index
    %get3A_5 = arith.constant 0 : index
    %get3A_6 = arith.constant 0 : index
    %get3A_7 = vector.load %arg2[%get3A_4, %get3A_5, %get3A_6] : memref<1x2000x72xf32, #tpu.memory_space<vmem>>, vector<1x2000x72xf32>
    %get3A_8 = vector.shape_cast %get3A_7 : vector<1x2000x72xf32> to vector<2000x72xf32>
    %get3A_9 = arith.constant 0 : index
    %get3A_10 = arith.constant 0 : index
    %get3A_11 = arith.constant 0 : index
    %get3A_12 = vector.load %arg3[%get3A_9, %get3A_10, %get3A_11] : memref<1x2000x72xf32, #tpu.memory_space<vmem>>, vector<1x2000x72xf32>
    %get3A_13 = vector.shape_cast %get3A_12 : vector<1x2000x72xf32> to vector<2000x72xf32>
    %get3A_14 = arith.constant 0 : index
    %get3A_15 = arith.constant 0 : index
    %get3A_16 = arith.constant 0 : index
    %get3A_17 = vector.load %arg4[%get3A_14, %get3A_15, %get3A_16] : memref<1x2000x72xf32, #tpu.memory_space<vmem>>, vector<1x2000x72xf32>
    %get3A_18 = vector.shape_cast %get3A_17 : vector<1x2000x72xf32> to vector<2000x72xf32>
    %concatenate3A = tpu.concatenate %get3A_3, %get3A_8 in 1 : vector<2000x72xf32>, vector<2000x72xf32> -> vector<2000x144xf32>
    %slice3A = vector.extract_strided_slice %concatenate3A {offsets = [0, 0], sizes = [2000, 128], strides = [1, 1]} : vector<2000x144xf32> to vector<2000x128xf32>
    %concatenate3A_19 = tpu.concatenate %get3A_13, %get3A_18 in 1 : vector<2000x72xf32>, vector<2000x72xf32> -> vector<2000x144xf32>
    %slice3A_20 = vector.extract_strided_slice %concatenate3A_19 {offsets = [0, 128], sizes = [2000, 1], strides = [1, 1]} : vector<2000x144xf32> to vector<2000x1xf32>
    %max3A = arith.constant 1.000000e+00 : f32
    %max3A_21 = vector.broadcast %max3A : f32 to vector<2000x1xf32>
    %max3A_22 = arith.maximumf %slice3A_20, %max3A_21 : vector<2000x1xf32>
    %slice3A_23 = vector.extract_strided_slice %concatenate3A_19 {offsets = [0, 0], sizes = [2000, 128], strides = [1, 1]} : vector<2000x144xf32> to vector<2000x128xf32>
    %div3A = vector.broadcast %max3A_22 : vector<2000x1xf32> to vector<2000x128xf32>
    %div3A_24 = arith.divf %slice3A_23, %div3A : vector<2000x128xf32>
    %get3A_25 = arith.constant 0 : index
    %get3A_26 = arith.constant 0 : index
    %get3A_27 = vector.load %arg5[%get3A_25, %get3A_26] : memref<128x128xf32, #tpu.memory_space<vmem>>, vector<128x128xf32>
    %dot_general3A = arith.constant dense<0.000000e+00> : vector<2000x128xf32>
    %dot_general3A_28 = tpu.matmul %slice3A, %get3A_27, %dot_general3A {dimension_numbers = #tpu.dot_dimension_numbers<[1], [0], [0], [1], [0, 0, 1, 1], [], []>, transpose_lhs_hint = false} : vector<2000x128xf32>, vector<128x128xf32>, vector<2000x128xf32> -> vector<2000x128xf32>
    %get3A_29 = arith.constant 0 : index
    %get3A_30 = arith.constant 0 : index
    %get3A_31 = vector.load %arg6[%get3A_29, %get3A_30] : memref<128x128xf32, #tpu.memory_space<vmem>>, vector<128x128xf32>
    %dot_general3A_32 = arith.constant dense<0.000000e+00> : vector<2000x128xf32>
    %dot_general3A_33 = tpu.matmul %div3A_24, %get3A_31, %dot_general3A_32 {dimension_numbers = #tpu.dot_dimension_numbers<[1], [0], [0], [1], [0, 0, 1, 1], [], []>, transpose_lhs_hint = false} : vector<2000x128xf32>, vector<128x128xf32>, vector<2000x128xf32> -> vector<2000x128xf32>
    %add3A = arith.addf %dot_general3A_28, %dot_general3A_33 : vector<2000x128xf32>
    %get3A_34 = arith.constant 0 : index
    %get3A_35 = arith.constant 0 : index
    %get3A_36 = vector.load %arg7[%get3A_34, %get3A_35] : memref<1x128xf32, #tpu.memory_space<vmem>>, vector<1x128xf32>
    %add3A_37 = vector.broadcast %get3A_36 : vector<1x128xf32> to vector<2000x128xf32>
    %add3A_38 = arith.addf %add3A, %add3A_37 : vector<2000x128xf32>
    %max3A_39 = arith.constant 0.000000e+00 : f32
    %max3A_40 = vector.broadcast %max3A_39 : f32 to vector<2000x128xf32>
    %max3A_41 = arith.maximumf %add3A_38, %max3A_40 : vector<2000x128xf32>
    %reshape3A = vector.shape_cast %max3A_41 : vector<2000x128xf32> to vector<2000x2x64xf32>
    %transpose3A = tpu.transpose %reshape3A, [1, 0, 2] : vector<2000x2x64xf32> -> vector<2x2000x64xf32>
    %swap3A = arith.constant 0 : index
    %swap3A_42 = arith.constant 0 : index
    %swap3A_43 = arith.constant 0 : index
    %swap3A_44 = vector.load %arg8[%swap3A, %swap3A_42, %swap3A_43] : memref<2x2000x64xf32, #tpu.memory_space<vmem>>, vector<2x2000x64xf32>
    tpu.vector_store %arg8[%swap3A, %swap3A_42, %swap3A_43], %transpose3A {strides = array<i32>} : memref<2x2000x64xf32, #tpu.memory_space<vmem>>, vector<2x2000x64xf32>,
    return
  }
  func.func @transform_0(%arg0: i32) -> (i32, i32, i32) {
    %c0_i32 = arith.constant 0 : i32
    %c0_i32_0 = arith.constant 0 : i32
    %c0_i32_1 = arith.constant 0 : i32
    return %c0_i32, %arg0, %c0_i32_0 : i32, i32, i32
  }
  func.func @transform_1(%arg0: i32) -> (i32, i32, i32) {
    %c1_i32 = arith.constant 1 : i32
    %c0_i32 = arith.constant 0 : i32
    %c0_i32_0 = arith.constant 0 : i32
    return %c1_i32, %arg0, %c0_i32 : i32, i32, i32
  }
  func.func @transform_2(%arg0: i32) -> (i32, i32, i32) {
    %c0_i32 = arith.constant 0 : i32
    %c0_i32_0 = arith.constant 0 : i32
    %c0_i32_1 = arith.constant 0 : i32
    return %c0_i32, %arg0, %c0_i32_0 : i32, i32, i32
  }
  func.func @transform_3(%arg0: i32) -> (i32, i32, i32) {
    %c1_i32 = arith.constant 1 : i32
    %c0_i32 = arith.constant 0 : i32
    %c0_i32_0 = arith.constant 0 : i32
    return %c1_i32, %arg0, %c0_i32 : i32, i32, i32
  }
  func.func @transform_4(%arg0: i32) -> (i32, i32) {
    %c0_i32 = arith.constant 0 : i32
    %c0_i32_0 = arith.constant 0 : i32
    %c0_i32_1 = arith.constant 0 : i32
    return %c0_i32, %c0_i32_0 : i32, i32
  }
  func.func @transform_5(%arg0: i32) -> (i32, i32) {
    %c0_i32 = arith.constant 0 : i32
    %c0_i32_0 = arith.constant 0 : i32
    %c0_i32_1 = arith.constant 0 : i32
    return %c0_i32, %c0_i32_0 : i32, i32
  }
  func.func @transform_6(%arg0: i32) -> (i32, i32) {
    %c0_i32 = arith.constant 0 : i32
    %c0_i32_0 = arith.constant 0 : i32
    %c0_i32_1 = arith.constant 0 : i32
    return %c0_i32, %c0_i32_0 : i32, i32
  }
  func.func @transform_7(%arg0: i32) -> (i32, i32, i32) {
    %c0_i32 = arith.constant 0 : i32
    %c0_i32_0 = arith.constant 0 : i32
    %c0_i32_1 = arith.constant 0 : i32
    return %c0_i32, %arg0, %c0_i32_0 : i32, i32, i32
  }
}

module attributes {stable_mosaic.version = 14 : i64} {
  func.func @_tc_final_body(%arg0: i32, %arg1: memref<1x2000x64xf32, #tpu.memory_space<vmem>>, %arg2: memref<1x2000x64xf32, #tpu.memory_space<vmem>>, %arg3: memref<1x2000x64xf32, #tpu.memory_space<vmem>>, %arg4: memref<1x2000x64xf32, #tpu.memory_space<vmem>>, %arg5: memref<1x2000x72xf32, #tpu.memory_space<vmem>>, %arg6: memref<128x128xf32, #tpu.memory_space<vmem>>, %arg7: memref<128x128xf32, #tpu.memory_space<vmem>>, %arg8: memref<1x128xf32, #tpu.memory_space<vmem>>, %arg9: memref<128x40xf32, #tpu.memory_space<vmem>>, %arg10: memref<1x40xf32, #tpu.memory_space<vmem>>, %arg11: memref<1x40xf32, #tpu.memory_space<vmem>>, %arg12: memref<1x128xf32, #tpu.memory_space<vmem>>, %arg13: memref<1x128xf32, #tpu.memory_space<vmem>>) attributes {dimension_semantics = [#tpu.dimension_semantics<arbitrary>], iteration_bounds = array<i64: 5>, scalar_prefetch = 0 : i64, scratch_operands = 1 : i64, tpu.core_type = #tpu.core_type<tc>, window_params = [{transform_indices = @transform_0, window_bounds = array<i64: 1, 2000, 64>}, {transform_indices = @transform_1, window_bounds = array<i64: 1, 2000, 64>}, {transform_indices = @transform_2, window_bounds = array<i64: 1, 2000, 64>}, {transform_indices = @transform_3, window_bounds = array<i64: 1, 2000, 64>}, {transform_indices = @transform_4, window_bounds = array<i64: 1, 2000, 72>}, {pipeline_mode = #tpu.pipeline_mode<synchronous>, transform_indices = @transform_5, window_bounds = array<i64: 128, 128>}, {pipeline_mode = #tpu.pipeline_mode<synchronous>, transform_indices = @transform_6, window_bounds = array<i64: 128, 128>}, {pipeline_mode = #tpu.pipeline_mode<synchronous>, transform_indices = @transform_7, window_bounds = array<i64: 1, 128>}, {pipeline_mode = #tpu.pipeline_mode<synchronous>, transform_indices = @transform_8, window_bounds = array<i64: 128, 40>}, {pipeline_mode = #tpu.pipeline_mode<synchronous>, transform_indices = @transform_9, window_bounds = array<i64: 1, 40>}, {pipeline_mode = #tpu.pipeline_mode<synchronous>, transform_indices = @transform_10, window_bounds = array<i64: 1, 40>}, {pipeline_mode = #tpu.pipeline_mode<synchronous>, transform_indices = @transform_11, window_bounds = array<i64: 1, 128>}]} {
    %get3A = arith.constant 0 : index
    %get3A_0 = arith.constant 0 : index
    %get3A_1 = arith.constant 0 : index
    %get3A_2 = vector.load %arg1[%get3A, %get3A_0, %get3A_1] : memref<1x2000x64xf32, #tpu.memory_space<vmem>>, vector<1x2000x64xf32>
    %get3A_3 = vector.shape_cast %get3A_2 : vector<1x2000x64xf32> to vector<2000x64xf32>
    %get3A_4 = arith.constant 0 : index
    %get3A_5 = arith.constant 0 : index
    %get3A_6 = arith.constant 0 : index
    %get3A_7 = vector.load %arg2[%get3A_4, %get3A_5, %get3A_6] : memref<1x2000x64xf32, #tpu.memory_space<vmem>>, vector<1x2000x64xf32>
    %get3A_8 = vector.shape_cast %get3A_7 : vector<1x2000x64xf32> to vector<2000x64xf32>
    %concatenate3A = tpu.concatenate %get3A_3, %get3A_8 in 1 : vector<2000x64xf32>, vector<2000x64xf32> -> vector<2000x128xf32>
    %get3A_9 = arith.constant 0 : index
    %get3A_10 = arith.constant 0 : index
    %get3A_11 = arith.constant 0 : index
    %get3A_12 = vector.load %arg3[%get3A_9, %get3A_10, %get3A_11] : memref<1x2000x64xf32, #tpu.memory_space<vmem>>, vector<1x2000x64xf32>
    %get3A_13 = vector.shape_cast %get3A_12 : vector<1x2000x64xf32> to vector<2000x64xf32>
    %get3A_14 = arith.constant 0 : index
    %get3A_15 = arith.constant 0 : index
    %get3A_16 = arith.constant 0 : index
    %get3A_17 = vector.load %arg4[%get3A_14, %get3A_15, %get3A_16] : memref<1x2000x64xf32, #tpu.memory_space<vmem>>, vector<1x2000x64xf32>
    %get3A_18 = vector.shape_cast %get3A_17 : vector<1x2000x64xf32> to vector<2000x64xf32>
    %concatenate3A_19 = tpu.concatenate %get3A_13, %get3A_18 in 1 : vector<2000x64xf32>, vector<2000x64xf32> -> vector<2000x128xf32>
    %get3A_20 = arith.constant 0 : index
    %get3A_21 = arith.constant 0 : index
    %get3A_22 = arith.constant 0 : index
    %get3A_23 = vector.load %arg5[%get3A_20, %get3A_21, %get3A_22] : memref<1x2000x72xf32, #tpu.memory_space<vmem>>, vector<1x2000x72xf32>
    %get3A_24 = vector.shape_cast %get3A_23 : vector<1x2000x72xf32> to vector<2000x72xf32>
    %slice3A = vector.extract_strided_slice %get3A_24 {offsets = [0, 56], sizes = [2000, 1], strides = [1, 1]} : vector<2000x72xf32> to vector<2000x1xf32>
    %max3A = arith.constant 1.000000e+00 : f32
    %max3A_25 = vector.broadcast %max3A : f32 to vector<2000x1xf32>
    %max3A_26 = arith.maximumf %slice3A, %max3A_25 : vector<2000x1xf32>
    %div3A = vector.broadcast %max3A_26 : vector<2000x1xf32> to vector<2000x128xf32>
    %div3A_27 = arith.divf %concatenate3A_19, %div3A : vector<2000x128xf32>
    %get3A_28 = arith.constant 0 : index
    %get3A_29 = arith.constant 0 : index
    %get3A_30 = vector.load %arg6[%get3A_28, %get3A_29] : memref<128x128xf32, #tpu.memory_space<vmem>>, vector<128x128xf32>
    %dot_general3A = arith.constant dense<0.000000e+00> : vector<2000x128xf32>
    %dot_general3A_31 = tpu.matmul %concatenate3A, %get3A_30, %dot_general3A {dimension_numbers = #tpu.dot_dimension_numbers<[1], [0], [0], [1], [0, 0, 1, 1], [], []>, transpose_lhs_hint = false} : vector<2000x128xf32>, vector<128x128xf32>, vector<2000x128xf32> -> vector<2000x128xf32>
    %get3A_32 = arith.constant 0 : index
    %get3A_33 = arith.constant 0 : index
    %get3A_34 = vector.load %arg7[%get3A_32, %get3A_33] : memref<128x128xf32, #tpu.memory_space<vmem>>, vector<128x128xf32>
    %dot_general3A_35 = arith.constant dense<0.000000e+00> : vector<2000x128xf32>
    %dot_general3A_36 = tpu.matmul %div3A_27, %get3A_34, %dot_general3A_35 {dimension_numbers = #tpu.dot_dimension_numbers<[1], [0], [0], [1], [0, 0, 1, 1], [], []>, transpose_lhs_hint = false} : vector<2000x128xf32>, vector<128x128xf32>, vector<2000x128xf32> -> vector<2000x128xf32>
    %add3A = arith.addf %dot_general3A_31, %dot_general3A_36 : vector<2000x128xf32>
    %get3A_37 = arith.constant 0 : index
    %get3A_38 = arith.constant 0 : index
    %get3A_39 = vector.load %arg8[%get3A_37, %get3A_38] : memref<1x128xf32, #tpu.memory_space<vmem>>, vector<1x128xf32>
    %add3A_40 = vector.broadcast %get3A_39 : vector<1x128xf32> to vector<2000x128xf32>
    %add3A_41 = arith.addf %add3A, %add3A_40 : vector<2000x128xf32>
    %max3A_42 = arith.constant 0.000000e+00 : f32
    %max3A_43 = vector.broadcast %max3A_42 : f32 to vector<2000x128xf32>
    %max3A_44 = arith.maximumf %add3A_41, %max3A_43 : vector<2000x128xf32>
    %reduce_sum3A = arith.constant dense<0.000000e+00> : vector<128xf32>
    %reduce_sum3A_45 = vector.multi_reduction <add>, %max3A_44, %reduce_sum3A [0] : vector<2000x128xf32> to vector<128xf32>
    %broadcast_in_dim3A = vector.shape_cast %reduce_sum3A_45 : vector<128xf32> to vector<1x128xf32>
    %eq3A = arith.constant 0 : i32
    %eq3A_46 = arith.cmpi eq, %arg0, %eq3A : i32
    %convert_element_type3A = arith.extui %eq3A_46 : i1 to i32
    %cond3A = arith.constant 0 : i32
    %cond3A_47 = arith.cmpi ne, %convert_element_type3A, %cond3A : i32
    scf.if %cond3A_47 {
      %swap3A = arith.constant 0 : index
      %swap3A_57 = arith.constant 0 : index
      %swap3A_58 = vector.load %arg13[%swap3A, %swap3A_57] : memref<1x128xf32, #tpu.memory_space<vmem>>, vector<1x128xf32>
      tpu.vector_store %arg13[%swap3A, %swap3A_57], %broadcast_in_dim3A {strides = array<i32>} : memref<1x128xf32, #tpu.memory_space<vmem>>, vector<1x128xf32>,
    } else {
    }
    %gt3A = arith.constant 0 : i32
    %gt3A_48 = arith.cmpi sgt, %arg0, %gt3A : i32
    %convert_element_type3A_49 = arith.extui %gt3A_48 : i1 to i32
    %cond3A_50 = arith.constant 0 : i32
    %cond3A_51 = arith.cmpi ne, %convert_element_type3A_49, %cond3A_50 : i32
    scf.if %cond3A_51 {
      %get3A_57 = arith.constant 0 : index
      %get3A_58 = arith.constant 0 : index
      %get3A_59 = vector.load %arg13[%get3A_57, %get3A_58] : memref<1x128xf32, #tpu.memory_space<vmem>>, vector<1x128xf32>
      %add3A_60 = arith.addf %get3A_59, %broadcast_in_dim3A : vector<1x128xf32>
      %swap3A = arith.constant 0 : index
      %swap3A_61 = arith.constant 0 : index
      %swap3A_62 = vector.load %arg13[%swap3A, %swap3A_61] : memref<1x128xf32, #tpu.memory_space<vmem>>, vector<1x128xf32>
      tpu.vector_store %arg13[%swap3A, %swap3A_61], %add3A_60 {strides = array<i32>} : memref<1x128xf32, #tpu.memory_space<vmem>>, vector<1x128xf32>,
    } else {
    }
    %eq3A_52 = arith.constant 4 : i32
    %eq3A_53 = arith.cmpi eq, %arg0, %eq3A_52 : i32
    %convert_element_type3A_54 = arith.extui %eq3A_53 : i1 to i32
    %cond3A_55 = arith.constant 0 : i32
    %cond3A_56 = arith.cmpi ne, %convert_element_type3A_54, %cond3A_55 : i32
    scf.if %cond3A_56 {
      %get3A_57 = arith.constant 0 : index
      %get3A_58 = arith.constant 0 : index
      %get3A_59 = vector.load %arg13[%get3A_57, %get3A_58] : memref<1x128xf32, #tpu.memory_space<vmem>>, vector<1x128xf32>
      %mul3A = arith.constant 9.99999974E-5 : f32
      %mul3A_60 = vector.broadcast %mul3A : f32 to vector<1x128xf32>
      %mul3A_61 = arith.mulf %get3A_59, %mul3A_60 : vector<1x128xf32>
      %swap3A = arith.constant 0 : index
      %swap3A_62 = arith.constant 0 : index
      %swap3A_63 = vector.load %arg12[%swap3A, %swap3A_62] : memref<1x128xf32, #tpu.memory_space<vmem>>, vector<1x128xf32>
      tpu.vector_store %arg12[%swap3A, %swap3A_62], %mul3A_61 {strides = array<i32>} : memref<1x128xf32, #tpu.memory_space<vmem>>, vector<1x128xf32>,
      %get3A_64 = arith.constant 0 : index
      %get3A_65 = arith.constant 0 : index
      %get3A_66 = vector.load %arg9[%get3A_64, %get3A_65] : memref<128x40xf32, #tpu.memory_space<vmem>>, vector<128x40xf32>
      %dot_general3A_67 = arith.constant dense<0.000000e+00> : vector<1x40xf32>
      %dot_general3A_68 = tpu.matmul %mul3A_61, %get3A_66, %dot_general3A_67 {dimension_numbers = #tpu.dot_dimension_numbers<[1], [0], [0], [1], [0, 0, 1, 1], [], []>, transpose_lhs_hint = false} : vector<1x128xf32>, vector<128x40xf32>, vector<1x40xf32> -> vector<1x40xf32>
      %get3A_69 = arith.constant 0 : index
      %get3A_70 = arith.constant 0 : index
      %get3A_71 = vector.load %arg10[%get3A_69, %get3A_70] : memref<1x40xf32, #tpu.memory_space<vmem>>, vector<1x40xf32>
      %add3A_72 = arith.addf %dot_general3A_68, %get3A_71 : vector<1x40xf32>
      %swap3A_73 = arith.constant 0 : index
      %swap3A_74 = arith.constant 0 : index
      %swap3A_75 = vector.load %arg11[%swap3A_73, %swap3A_74] : memref<1x40xf32, #tpu.memory_space<vmem>>, vector<1x40xf32>
      tpu.vector_store %arg11[%swap3A_73, %swap3A_74], %add3A_72 {strides = array<i32>} : memref<1x40xf32, #tpu.memory_space<vmem>>, vector<1x40xf32>,
    } else {
    }
    return
  }
  func.func @transform_0(%arg0: i32) -> (i32, i32, i32) {
    %c0_i32 = arith.constant 0 : i32
    %c0_i32_0 = arith.constant 0 : i32
    %c0_i32_1 = arith.constant 0 : i32
    return %c0_i32, %arg0, %c0_i32_0 : i32, i32, i32
  }
  func.func @transform_1(%arg0: i32) -> (i32, i32, i32) {
    %c1_i32 = arith.constant 1 : i32
    %c0_i32 = arith.constant 0 : i32
    %c0_i32_0 = arith.constant 0 : i32
    return %c1_i32, %arg0, %c0_i32 : i32, i32, i32
  }
  func.func @transform_2(%arg0: i32) -> (i32, i32, i32) {
    %c0_i32 = arith.constant 0 : i32
    %c0_i32_0 = arith.constant 0 : i32
    %c0_i32_1 = arith.constant 0 : i32
    return %c0_i32, %arg0, %c0_i32_0 : i32, i32, i32
  }
  func.func @transform_3(%arg0: i32) -> (i32, i32, i32) {
    %c1_i32 = arith.constant 1 : i32
    %c0_i32 = arith.constant 0 : i32
    %c0_i32_0 = arith.constant 0 : i32
    return %c1_i32, %arg0, %c0_i32 : i32, i32, i32
  }
  func.func @transform_4(%arg0: i32) -> (i32, i32, i32) {
    %c1_i32 = arith.constant 1 : i32
    %c0_i32 = arith.constant 0 : i32
    %c0_i32_0 = arith.constant 0 : i32
    return %c1_i32, %arg0, %c0_i32 : i32, i32, i32
  }
  func.func @transform_5(%arg0: i32) -> (i32, i32) {
    %c0_i32 = arith.constant 0 : i32
    %c0_i32_0 = arith.constant 0 : i32
    %c0_i32_1 = arith.constant 0 : i32
    return %c0_i32, %c0_i32_0 : i32, i32
  }
  func.func @transform_6(%arg0: i32) -> (i32, i32) {
    %c0_i32 = arith.constant 0 : i32
    %c0_i32_0 = arith.constant 0 : i32
    %c0_i32_1 = arith.constant 0 : i32
    return %c0_i32, %c0_i32_0 : i32, i32
  }
  func.func @transform_7(%arg0: i32) -> (i32, i32) {
    %c0_i32 = arith.constant 0 : i32
    %c0_i32_0 = arith.constant 0 : i32
    %c0_i32_1 = arith.constant 0 : i32
    return %c0_i32, %c0_i32_0 : i32, i32
  }
  func.func @transform_8(%arg0: i32) -> (i32, i32) {
    %c0_i32 = arith.constant 0 : i32
    %c0_i32_0 = arith.constant 0 : i32
    %c0_i32_1 = arith.constant 0 : i32
    return %c0_i32, %c0_i32_0 : i32, i32
  }
  func.func @transform_9(%arg0: i32) -> (i32, i32) {
    %c0_i32 = arith.constant 0 : i32
    %c0_i32_0 = arith.constant 0 : i32
    %c0_i32_1 = arith.constant 0 : i32
    return %c0_i32, %c0_i32_0 : i32, i32
  }
  func.func @transform_10(%arg0: i32) -> (i32, i32) {
    %c0_i32 = arith.constant 0 : i32
    %c0_i32_0 = arith.constant 0 : i32
    %c0_i32_1 = arith.constant 0 : i32
    return %c0_i32, %c0_i32_0 : i32, i32
  }
  func.func @transform_11(%arg0: i32) -> (i32, i32) {
    %c0_i32 = arith.constant 0 : i32
    %c0_i32_0 = arith.constant 0 : i32
    %c0_i32_1 = arith.constant 0 : i32
    return %c0_i32, %c0_i32_0 : i32, i32
  }
}

</mosaic_0001>

<sc_bundles>
// kernel: kernel.6.cloned.1.call-start
scs
__scs_entry_jumppad:
0x0: {  	(pc) =	sbr.rel $0x88, $3  }
0x1: {  	(tag) =	ssettag $0x0;
	lr =	simm.s32 $0x1  }
0x2: {  	[smem:$0x3F97] =	sst lr;
	_ =	strace $0xD0000000  }
0x3: {  	_ = 	snop  }
0x4: {  	_ = 	snop  }
0x5: {  	_ = 	snop  }
0x6: {  	_ = 	snop  }
0x7: {  	_ = 	snop  }
__scs_overlays_trampoline_lowered:
0x8: {  	[smem:$0x3FA6] =	sst s0  }
0x9: {  	[smem:$0x3FA7] =	sst s1  }
0xa: {  	[smem:$0x3FA8] =	sst s2  }
0xb: {  	[smem:$0x3FA9] =	sst s3  }
0xc: {  	[smem:$0x3FAA] =	sst s4  }
0xd: {  	[smem:$0x3FAB] =	sst s5  }
0xe: {  	[smem:$0x3FAC] =	sst s6  }
0xf: {  	[smem:$0x3FAD] =	sst s7  }
0x10: {  	[smem:$0x3FAE] =	sst s8  }
0x11: {  	[smem:$0x3FAF] =	sst s9;
	s0 =	simm.s32 @!p0 $0x0  }
0x12: {  	s1 =	sld [smem:$0x3F95];
	s0 =	simm.s32 @p0 $0x1  }
0x13: {  	[smem:$0x3FB0] =	sst s0;
	s0 =	simm.s32 @!p1 $0x0  }
0x14: {  	s2 =	sld [smem:$0x3F94];
	s0 =	simm.s32 @p1 $0x1  }
0x15: {  	[smem:$0x3FB1] =	sst s0;
	s0 =	simm.s32 @!p2 $0x0  }
0x16: {  	s3 =	sld [smem:$0x3FDB];
	s0 =	simm.s32 @p2 $0x1  }
0x17: {  	s4 =	simm.s32 $0x1BF5;
	[smem:$0x3FB3] =	sst s0  }
0x18: {  	s0 =	sld [smem:$0x3F96];
	_ =	swait.ge [sflag:s4], $0x0  }
0x19: {  	s7 =	sld [smem:$0x3F97]  }
0x1a: {  	s8 =	sadd.s32 $0xFFFFE003, lr  }
0x1b: {  	s9 =	sadd.s32 $0xFFFFFEF7, lr;
	s5 =	simm.s32 $0xFFFFFFFF;
	p2 =	slt.u32 s8, $0xFFFFF086  }
0x1c: {  	p1 =	slt.u32 s9, $0xF7A;
	s5 =	simm.s32 @!p2 $0x0  }
0x1d: {  	s5 =	simm.s32 @p1 $0x1;
	p0 =	seq.s32 s7, s2  }
0x1e: {  	s7 =	smul.u32 @!p0 $0xF7A, s2;
	p2 =	seq.s32 @!p0 s5, $0x0  }
0x1f: {  	s9 =	smul.u32 $0xF7A, s1;
	s8 =	simm.s32 @!p0 $0x1BF5;
	p2 =	por !p2, p0  }
0x20: {  	[sflag:s8] =	ssyncset.s32 @!p0 $0xFFFFF086;
	s6 =	sadd.s32 @!p0 s3, s7;
	s7 =	simm.s32 @!p0 $0x108  }
0x21: {  	s3 =	sadd.s32 s3, s9;
	s6 =	sadd.s32 @!p0 $0x88, s6;
	s7 =	simm.s32 @p2 $0x1082  }
0x22: {  	[simem:s7], [sflag:s8] =	dma.local @!p0 [hbm:s6], $0xF7A  }
0x23: {  	s9 =	sor.u32 $0xD0000000, s2;
	s6 =	simm.s32 $0x108;
	_ =	swait.ge @!p0 [sflag:s8], $0x0  }
0x24: {  	s3 =	sadd.s32 $0x88, s3;
	s6 =	simm.s32 @!p1 $0x1082;
	[sflag:s4] =	ssyncset.s32 $0xFFFFF086  }
0x25: {  	[simem:s6], [sflag:s4] =	dma.local [hbm:s3], $0xF7A  }
0x26: {  	[smem:$0x3F97] =	sst s1;
	(tag) =	ssettag s2;
	_ =	strace s9  }
0x27: {  	s1 =	sld [smem:$0x3FA7]  }
0x28: {  	s2 =	sld [smem:$0x3FA8]  }
0x29: {  	s4 =	sld [smem:$0x3FAA]  }
0x2a: {  	p0 =	seq.s32 s5, $0x0;
	s5 =	sld [smem:$0x3FAB]  }
0x2b: {  	s6 =	sld [smem:$0x3FAC]  }
0x2c: {  	s7 =	sld [smem:$0x3FAD]  }
0x2d: {  	s3 =	simm.s32 $0x108;
	s8 =	sld [smem:$0x3FAE]  }
0x2e: {  	s3 =	simm.s32 @!p0 $0x1082;
	s9 =	sld [smem:$0x3FAF]  }
0x2f: {  	lr =	sadd.s32 s0, s3;
	s0 =	sld [smem:$0x3FA6]  }
0x30: {  	s3 =	sld [smem:$0x3FA9]  }
0x31: {  	[smem:$0x3FB2] =	sst s10  }
0x32: {  	s10 =	sld [smem:$0x3FB0];
	_ =	sdelay $0x3  }
0x33: {  	p0 =	seq.s32 s10, $0x1;
	s10 =	sld [smem:$0x3FB2];
	_ =	sdelay $0x3  }
0x34: {  	[smem:$0x3FB2] =	sst s10  }
0x35: {  	s10 =	sld [smem:$0x3FB1];
	_ =	sdelay $0x3  }
0x36: {  	p1 =	seq.s32 s10, $0x1;
	s10 =	sld [smem:$0x3FB2];
	_ =	sdelay $0x3  }
0x37: {  	[smem:$0x3FB2] =	sst s10  }
0x38: {  	s10 =	sld [smem:$0x3FB3]  }
0x39: {  	_ = 	snop;
	(pc) =	sbr.ind lr, $3  }
0x3a: {  	_ = 	snop  }
0x3b: {  	_ = 	snop  }
0x3c: {  	p2 =	seq.s32 s10, $0x1;
	s10 =	sld [smem:$0x3FB2]  }
0x3d: {  	_ =	shalt  }
0x3e: {  	_ =	shalt  }
0x3f: {  	_ =	shalt  }
0x40: {  	_ =	shalt  }
0x41: {  	_ =	shalt  }
0x42: {  	_ =	shalt  }
0x43: {  	_ =	shalt  }
0x44: {  	_ =	shalt  }
0x45: {  	_ =	shalt  }
0x46: {  	_ =	shalt  }
0x47: {  	_ =	shalt  }
0x48: {  	_ =	shalt  }
0x49: {  	_ =	shalt  }
0x4a: {  	_ =	shalt  }
0x4b: {  	_ =	shalt  }
0x4c: {  	_ =	shalt  }
0x4d: {  	_ =	shalt  }
0x4e: {  	_ =	shalt  }
0x4f: {  	_ =	shalt  }
0x50: {  	_ =	shalt  }
0x51: {  	_ =	shalt  }
0x52: {  	_ =	shalt  }
0x53: {  	_ =	shalt  }
0x54: {  	_ =	shalt  }
0x55: {  	_ =	shalt  }
0x56: {  	_ =	shalt  }
0x57: {  	_ =	shalt  }
0x58: {  	_ =	shalt  }
0x59: {  	_ =	shalt  }
0x5a: {  	_ =	shalt  }
0x5b: {  	_ =	shalt  }
0x5c: {  	_ =	shalt  }
0x5d: {  	_ =	shalt  }
0x5e: {  	_ =	shalt  }
0x5f: {  	_ =	shalt  }
0x60: {  	_ =	shalt  }
0x61: {  	_ =	shalt  }
0x62: {  	_ =	shalt  }
0x63: {  	_ =	shalt  }
0x64: {  	_ =	shalt  }
0x65: {  	_ =	shalt  }
0x66: {  	_ =	shalt  }
0x67: {  	_ =	shalt  }
0x68: {  	_ =	shalt  }
0x69: {  	_ =	shalt  }
0x6a: {  	_ =	shalt  }
0x6b: {  	_ =	shalt  }
0x6c: {  	_ =	shalt  }
0x6d: {  	_ =	shalt  }
0x6e: {  	_ =	shalt  }
0x6f: {  	_ =	shalt  }
0x70: {  	_ =	shalt  }
0x71: {  	_ =	shalt  }
0x72: {  	_ =	shalt  }
0x73: {  	_ =	shalt  }
0x74: {  	_ =	shalt  }
0x75: {  	_ =	shalt  }
0x76: {  	_ =	shalt  }
0x77: {  	_ =	shalt  }
0x78: {  	_ =	shalt  }
0x79: {  	_ =	shalt  }
0x7a: {  	_ =	shalt  }
0x7b: {  	_ =	shalt  }
0x7c: {  	_ =	shalt  }
0x7d: {  	_ =	shalt  }
0x7e: {  	_ =	shalt  }
0x7f: {  	_ =	shalt  }
0x80: {  	_ =	shalt  }
0x81: {  	_ =	shalt  }
0x82: {  	_ =	shalt  }
0x83: {  	_ =	shalt  }
0x84: {  	_ =	shalt  }
0x85: {  	_ =	shalt  }
0x86: {  	_ =	shalt  }
0x87: {  	_ =	shalt  }
.Lfunc_end0:
.L_simem_size_0:
called_computation_lowered:
.L_overlay_start_0:
0x88: {  	s2 =	sld [smem:$0x3FD9]  }
0x89: {  	s3 =	sld [smem:$0x3FFE];
	_ =	sdelay $0x1  }
0x8a: {  	s1 =	srdreg.scid  }
0x8b: {  	s0 =	sand.u32 $0x1, s1  }
0x8c: {  	s16 =	sshll.u32 s0, $0xA;
	s2 =	sadd.s32 s3, s2  }
0x8d: {  	s2 =	sadd.s32 s2, s16  }
0x8e: {  	[smem:$0x3FBE] =	sst s2  }
0x8f: {  	_ = 	snop  }
0x90: {  	(tm) =	ssettm $0x1  }
0x91: {  	s17 =	sld [smem:$0x3FFB];
	_ =	sdelay $0x3  }
0x92: {  	_ =	strace s17  }
0x93: {  	s2 =	sld [smem:$0x3FFC];
	_ =	sdelay $0x3  }
0x94: {  	_ =	strace s2  }
0x95: {  	s2 =	sld [smem:$0x3FFD];
	_ =	sdelay $0x3  }
0x96: {  	_ =	strace s2  }
0x97: {  	_ =	strace $0x8FFFFFFF  }
0x98: {  	s18 =	sld [smem:$0x3FDB];
	_ =	sdelay $0x1  }
0x99: {  	s19 =	simm.s32 $_scs_section_size  }
0x9a: {  	s4 =	simm.s32 $_size__tile_overlayer_lowered;
	s5 =	simm.s32 $_tile_overlayer_lowered  }
0x9b: {  	s22 =	simm.s32 $0x1BFF;
	s21 =	sshll.u32 s5, $0x1;
	s2 =	sadd.s32 s19, s18  }
0x9c: {  	s6 =	simm.s32 $0x0;
	s20 =	sshll.u32 s4, $0x1;
	s4 =	sadd.s32 s21, s2  }
0x9d: {  	[timem:s6], [sflag:s22] =	dma.local [hbm:s4], s20  }
0x9e: {  	_ =	swait.ge [sflag:s22], s20  }
0x9f: {  	s3 =	ssub.s32 $0x0, s20;
	[sflag:s22] =	ssyncset.done $0x0  }
0xa0: {  	[sflag:s22] =	ssyncadd.s32 s3;
	_ =	sdelay $0x1  }
0xa1: {  	s23 =	simm.s32 $0x1B8B  }
0xa2: {  	_ =	swait.ge [sflag:s23], $0x1  }
0xa3: {  	[sflag:s23] =	ssyncset.done $0x0  }
0xa4: {  	s25 =	simm.s32 $0x1B8E;
	s24 =	sld [smem:$0x3FFE];
	[sflag:s23] =	ssyncadd.s32 $0xFFFFFFFF  }
0xa5: {  	s26 =	simm.s32 $execute0_lowered;
	[smem:$0x3FD2] =	sst s25  }
0xa6: {  	s4 =	sshll.u32 s26, $0x1;
	_ =	strace $0x80000046;
	[dreg:$0x1] =	wrdreg $0xFFFFFFFF  }
0xa7: {  	s28 =	simm.s32 $_size_execute0_lowered;
	s2 =	sadd.s32 s2, s4;
	[dreg:$0x0] =	wrdreg $0x0  }
0xa8: {  	s4 =	sshll.u32 s28, $0x1;
	[dreg:$0x2] =	wrdreg s2  }
0xa9: {  	[dreg:$0x3] =	wrdreg s4  }
0xaa: {  	[dreg:$0x4] =	wrdreg $0xC0  }
0xab: {  	_ =	task [dreg:s6], $0x5FFFF  }
0xac: {  	[dreg:$0x1] =	wrdreg $0xFFFFFFFF  }
0xad: {  	[dreg:$0x0] =	wrdreg $0x60  }
0xae: {  	[dreg:$0x2] =	wrdreg s24  }
0xaf: {  	[dreg:$0x3] =	wrdreg $0x130000  }
0xb0: {  	[dreg:$0x4] =	wrdreg $0x9  }
0xb1: {  	_ =	task.clear_ibuf [dreg:s6], $0x5FFFF;
	_ =	strace $0x90000046  }
0xb2: {  	s29 =	simm.s32 $0x9;
	_ =	strace $0x80000048  }
0xb3: {  	_ =	swait.ge [sflag:s29], $0x1  }
0xb4: {  	[sflag:s29] =	ssyncadd.s32 $0xFFFFFFFF  }
0xb5: {  	_ =	strace $0x90000048  }
0xb6: {  	_ =	sfence  }
0xb7: {  	s30 =	sld [smem:$0x0];
	_ =	sdelay $0x2  }
0xb8: {  	s31 =	sshll.u32 s1, $0xD;
	s1 =	sshrl.u32 s1, $0x2  }
0xb9: {  	s3 =	sand.u32 $0x4000, s31;
	s1 =	sadd.s32 s1, s30  }
0xba: {  	s0 =	sor.u32 s3, s0;
	s1 =	sshll.u32 s1, $0x11  }
0xbb: {  	s0 =	sor.u32 s1, s0  }
0xbc: {  	s0 =	sadd.s32 $0x8F2B, s0  }
0xbd: {  	[sflag:s0] =	ssyncadd.remote.s32 $0x1  }
0xbe: {  	_ =	sfence.sel $0xFFFF  }
0xbf: {  	[dreg:$0x0] =	wrdreg $0xFFFFFFFF;
	(pc) =	sbr.abs _section_cstart, $3  }
0xc0: {  	[dreg:$0x1] =	wrdreg $0xFFFFFFFF  }
0xc1: {  	_ =	task.clear_ibuf [dreg:s6], $0x2FFFF;
	_ =	strace $0x9FFFFFFF  }
0xc2: {  	(tm) =	ssettm $0x7FFFFFFF  }
0xc3: {  	_ =	shalt  }
tec
execute0_lowered:
.L_overlay_start_1:
0x0: {  	(tag) =	ssettag $0x1  }
0x1: {  	s0 =	rddreg [dreg:$0x0];
	s1 =	srdreg.scid  }
0x2: {  	s7 =	stileid.u32;
	s2 =	rddreg [dreg:$0x1];
	s5 =	simm.s32 $0x0  }
0x3: {  	s14 =	simm.s32 $0xA000;
	s15 =	simm.s32 $0x5;
	s17 =	simm.s32 $0x80  }
0x4: {  	s18 =	simm.s32 $0xC400;
	s19 =	simm.s32 $0x100;
	s20 =	simm.s32 $0xE800  }
0x5: {  	s21 =	simm.s32 $0x180;
	s22 =	simm.s32 $0x10C00;
	s3 =	smul.u32 $0x5000, s7  }
0x6: {  	s23 =	simm.s32 $0x1;
	s28 =	simm.s32 $0x4;
	s13 =	smul.u32 $0xAFC8, s7  }
0x7: {  	s30 =	simm.s32 $0x9E80;
	s1 =	sand.u32 $0x1, s1;
	s7 =	smul.u32 $0x2C820, s7  }
0x8: {  	s31 =	simm.s32 $0x9F00;
	[smem:$0x7FF] =	sst s5;
	s4 =	smul.u32 $0x50000, s1  }
0x9: {  	s24 =	smul.u32 $0xAFC80, s1;
	_ =	strace $0x80000047;
	s1 =	ssub.s32 $0x2, s1  }
0xa: {  	s25 =	sshrl.u32 s7, $0x2;
	s8 =	sshrl.u32 s1, $0x1;
	s29 =	sadd.s32 s13, s2  }
0xb: {  	s4 =	sadd.s32 s3, s4;
	s3 =	sshrl.u32 s3, $0x3;
	s5 =	sadd.s32 s13, s24  }
0xc: {  	s1 =	ssub.s32 s1, s8;
	s24 =	simm.s32 $0x2;
	s6 =	sshrl.u32 s4, $0x3  }
0xd: {  	s4 =	sadd.s32 $0x1FC00, s0;
	s3 =	sadd.s32 s3, s0;
	s26 =	sshrl.u32 s5, $0x3  }
0xe: {  	s5 =	sadd.s32 s25, s2;
	s13 =	smax.u32 s1, $0x1;
	s25 =	sshrl.u32 s29, $0x3  }
0xf: {  	s1 =	simm.s32 $0x9F80;
	s10 =	sadd.s32 s6, s0;
	s0 =	sadd.s32 s26, s0  }
0x10: {  	s6 =	sadd.s32 $0x2400, s5;
	s7 =	sadd.s32 $0x4800, s5;
	s8 =	sadd.s32 $0x6C00, s5  }
0x11: {  	s9 =	sadd.s32 $0x9000, s5;
	s11 =	sadd.s32 $0x1C00, s3;
	s26 =	simm.s32 $0x3  }
0x12: {  	v0 =	vimm.f32 $0.0e+00;
	s3 =	simm.s32 $0x0;
	s10 =	sadd.s32 $0xBC00, s10;
	s12 =	sadd.s32 $0x4BC00, s0  }
.LBB2_1:
0x13: {  	s0 =	simm.s32 $0x0  }
0x14: {  	s16 =	simm.s32 $0x120;
	[tilespmem:s0+$0xA020] =	vst v0  }
.LBB2_2:
0x15: {  	p0 =	sne.s32 s16, $0x8EE0;
	[tilespmem:s0+$0xA010] =	vst v0;
	s29 =	smov.u32 s16;
	s16 =	sadd.s32 $0x120, s16  }
.Ltmp0:
0x16: {  	[tilespmem:s0+$0xA030] =	vst v0;
	(pc) =	sbr.rel @p0 .LBB2_2-.Ltmp0, $4  }
0x17: {  	[tilespmem:s0+$0xA038] =	vst v0  }
0x18: {  	[tilespmem:s0+$0xA000] =	vst v0  }
0x19: {  	s0 =	sshra.s32 s29, $0x2  }
0x1a: {  	[tilespmem:s0+$0xA020] =	vst v0  }
0x1b: {  	[tilespmem:s0+$0xA010] =	vst v0  }
0x1c: {  	[tilespmem:s0+$0xA030] =	vst v0  }
0x1d: {  	[tilespmem:s0+$0xA000] =	vst v0  }
0x1e: {  	[tilespmem:s0+$0xA038] =	vst v0  }
0x1f: {  	[spmem:s5] =	stream.linear.scatter [tilespmem:s14], [sflag:$0x5], $0x2400, $0x38;
	[tilespmem:$0x1E208] =	vst v63  }
0x20: {  	_ =	swait.ge [sflag:s15], $0x2400  }
0x21: {  	[sflag:s15] =	ssyncset.done $0x0  }
0x22: {  	[sflag:s15] =	ssyncadd.s32 $0xFFFFDC00  }
0x23: {  	[spmem:s6] =	stream.linear.scatter [tilespmem:s14], [sflag:$0x5], $0x2400, $0x38;
	[tilespmem:$0x1E208] =	vst v63  }
0x24: {  	_ =	swait.ge [sflag:s15], $0x2400  }
0x25: {  	[sflag:s15] =	ssyncset.done $0x0  }
0x26: {  	[sflag:s15] =	ssyncadd.s32 $0xFFFFDC00  }
0x27: {  	[spmem:s7] =	stream.linear.scatter [tilespmem:s14], [sflag:$0x5], $0x2400, $0x38;
	[tilespmem:$0x1E208] =	vst v63  }
0x28: {  	_ =	swait.ge [sflag:s15], $0x2400  }
0x29: {  	[sflag:s15] =	ssyncset.done $0x0  }
0x2a: {  	[sflag:s15] =	ssyncadd.s32 $0xFFFFDC00  }
0x2b: {  	[spmem:s8] =	stream.linear.scatter [tilespmem:s14], [sflag:$0x5], $0x2400, $0x38;
	[tilespmem:$0x1E208] =	vst v63  }
0x2c: {  	_ =	swait.ge [sflag:s15], $0x2400  }
0x2d: {  	[sflag:s15] =	ssyncset.done $0x0  }
0x2e: {  	[sflag:s15] =	ssyncadd.s32 $0xFFFFDC00  }
0x2f: {  	[spmem:s9] =	stream.linear.scatter [tilespmem:s14], [sflag:$0x5], $0x2208, $0x38;
	[tilespmem:$0x1E208] =	vst v63  }
0x30: {  	_ =	swait.ge [sflag:s15], $0x2208  }
0x31: {  	[sflag:s15] =	ssyncset.done $0x0  }
0x32: {  	s29 =	simm.s32 $0x0;
	[sflag:s15] =	ssyncadd.s32 $0xFFFFDDF8  }
0x33: {  	[tilespmem:s29], [sflag:$0x5] =	stream.linear.gather [hbm4b:s10+s29], $0x5000, $0x38;
	[tilespmem:$0x1E208] =	vst v63  }
0x34: {  	_ =	swait.ge [sflag:s15], $0x5000  }
0x35: {  	[sflag:s15] =	ssyncset.done $0x0  }
0x36: {  	s16 =	simm.s32 $0x5000;
	[sflag:s15] =	ssyncadd.s32 $0xFFFFB000  }
0x37: {  	[tilespmem:s16], [sflag:$0x5] =	stream.linear.gather [hbm4b:s11+s29], $0x5000, $0x38;
	[tilespmem:$0x1E208] =	vst v63  }
0x38: {  	_ =	swait.ge [sflag:s15], $0x5000  }
0x39: {  	[sflag:s15] =	ssyncset.done $0x0  }
0x3a: {  	[sflag:s15] =	ssyncadd.s32 $0xFFFFB000  }
0x3b: {  	[bflag:$0x0] =	sbarrier.arrive $0xFFFF  }
0x3c: {  	[tilespmem:s14], [sflag:$0x1] =	stream.indirect.gather [hbm4b:s4+s17], $0x48, s29, s17, $0xb8;
	[tilespmem:$0x1E208] =	vst v63  }
0x3d: {  	_ = 	snop  }
0x3e: {  	[tilespmem:s18], [sflag:$0x2] =	stream.indirect.gather [hbm4b:s4+s17], $0x48, s17, s17, $0xb8;
	[tilespmem:$0x1E208] =	vst v63  }
0x3f: {  	_ = 	snop  }
0x40: {  	[tilespmem:s20], [sflag:$0x3] =	stream.indirect.gather [hbm4b:s4+s17], $0x48, s19, s17, $0xb8;
	[tilespmem:$0x1E208] =	vst v63  }
0x41: {  	_ = 	snop  }
0x42: {  	[tilespmem:s22], [sflag:$0x4] =	stream.indirect.gather [hbm4b:s4+s17], $0x48, s21, s17, $0xb8;
	[tilespmem:$0x1E208] =	vst v63  }
0x43: {  	_ =	swait.ge [sflag:s23], $0x2400  }
0x44: {  	[sflag:s23] =	ssyncset.done $0x0  }
0x45: {  	s29 =	simm.s32 $0x5000;
	[sflag:s23] =	ssyncadd.s32 $0xFFFFDC00  }
0x46: {  	[spmem:s2] =	stream.indirect.scatter.add.f32 [tilespmem:s14], [sflag:$0x5], $0x48, s29, s17, $0xb8;
	[tilespmem:$0x1E208] =	vst v63  }
0x47: {  	_ =	swait.ge [sflag:s15], $0x2400  }
0x48: {  	[sflag:s15] =	ssyncset.done $0x0  }
0x49: {  	s16 =	simm.s32 $0x200;
	[sflag:s15] =	ssyncadd.s32 $0xFFFFDC00  }
0x4a: {  	[tilespmem:s14], [sflag:$0x1] =	stream.indirect.gather [hbm4b:s4+s17], $0x48, s16, s17, $0xb8;
	[tilespmem:$0x1E208] =	vst v63  }
0x4b: {  	_ =	swait.ge [sflag:s24], $0x2400  }
0x4c: {  	[sflag:s24] =	ssyncset.done $0x0  }
0x4d: {  	s29 =	simm.s32 $0x5080;
	[sflag:s24] =	ssyncadd.s32 $0xFFFFDC00  }
0x4e: {  	[spmem:s2] =	stream.indirect.scatter.add.f32 [tilespmem:s18], [sflag:$0x5], $0x48, s29, s17, $0xb8;
	[tilespmem:$0x1E208] =	vst v63  }
0x4f: {  	_ =	swait.ge [sflag:s15], $0x2400  }
0x50: {  	[sflag:s15] =	ssyncset.done $0x0  }
0x51: {  	s16 =	simm.s32 $0x280;
	[sflag:s15] =	ssyncadd.s32 $0xFFFFDC00  }
0x52: {  	[tilespmem:s18], [sflag:$0x2] =	stream.indirect.gather [hbm4b:s4+s17], $0x48, s16, s17, $0xb8;
	[tilespmem:$0x1E208] =	vst v63  }
0x53: {  	_ =	swait.ge [sflag:s26], $0x2400  }
0x54: {  	[sflag:s26] =	ssyncset.done $0x0  }
0x55: {  	s29 =	simm.s32 $0x5100;
	[sflag:s26] =	ssyncadd.s32 $0xFFFFDC00  }
0x56: {  	[spmem:s2] =	stream.indirect.scatter.add.f32 [tilespmem:s20], [sflag:$0x5], $0x48, s29, s17, $0xb8;
	[tilespmem:$0x1E208] =	vst v63  }
0x57: {  	_ =	swait.ge [sflag:s15], $0x2400  }
0x58: {  	[sflag:s15] =	ssyncset.done $0x0  }
0x59: {  	s16 =	simm.s32 $0x300;
	[sflag:s15] =	ssyncadd.s32 $0xFFFFDC00  }
0x5a: {  	[tilespmem:s20], [sflag:$0x3] =	stream.indirect.gather [hbm4b:s4+s17], $0x48, s16, s17, $0xb8;
	[tilespmem:$0x1E208] =	vst v63  }
0x5b: {  	_ =	swait.ge [sflag:s28], $0x2400  }
0x5c: {  	[sflag:s28] =	ssyncset.done $0x0  }
0x5d: {  	s29 =	simm.s32 $0x5180;
	[sflag:s28] =	ssyncadd.s32 $0xFFFFDC00  }
0x5e: {  	[spmem:s2] =	stream.indirect.scatter.add.f32 [tilespmem:s22], [sflag:$0x5], $0x48, s29, s17, $0xb8;
	[tilespmem:$0x1E208] =	vst v63  }
0x5f: {  	_ =	swait.ge [sflag:s15], $0x2400  }
0x60: {  	[sflag:s15] =	ssyncset.done $0x0  }
0x61: {  	s0 =	simm.s32 $0x800;
	s16 =	simm.s32 $0x380;
	[sflag:s15] =	ssyncadd.s32 $0xFFFFDC00  }
.LBB2_4:
0x62: {  	[tilespmem:s22], [sflag:$0x4] =	stream.indirect.gather [hbm4b:s4+s17], $0x48, s16, s17, $0xb8;
	[tilespmem:$0x1E208] =	vst v63  }
0x63: {  	s16 =	smov.u32 s0  }
0x64: {  	p0 =	sne.s32 s0, $0x13000;
	s0 =	sadd.s32 $0x800, s0;
	_ =	swait.ge [sflag:s23], $0x2400  }
0x65: {  	s16 =	sshra.s32 s16, $0x2;
	[sflag:s23] =	ssyncset.done $0x0  }
0x66: {  	s29 =	sadd.s32 $0x5000, s16;
	[sflag:s23] =	ssyncadd.s32 $0xFFFFDC00  }
0x67: {  	[spmem:s2] =	stream.indirect.scatter.add.f32 [tilespmem:s14], [sflag:$0x5], $0x48, s29, s17, $0xb8;
	[tilespmem:$0x1E208] =	vst v63  }
0x68: {  	_ =	swait.ge [sflag:s15], $0x2400  }
0x69: {  	[sflag:s15] =	ssyncset.done $0x0  }
0x6a: {  	s29 =	sadd.s32 $0x200, s16;
	[sflag:s15] =	ssyncadd.s32 $0xFFFFDC00  }
0x6b: {  	[tilespmem:s14], [sflag:$0x1] =	stream.indirect.gather [hbm4b:s4+s17], $0x48, s29, s17, $0xb8;
	[tilespmem:$0x1E208] =	vst v63  }
0x6c: {  	_ =	swait.ge [sflag:s24], $0x2400  }
0x6d: {  	[sflag:s24] =	ssyncset.done $0x0  }
0x6e: {  	s29 =	sadd.s32 $0x5080, s16;
	[sflag:s24] =	ssyncadd.s32 $0xFFFFDC00  }
0x6f: {  	[spmem:s2] =	stream.indirect.scatter.add.f32 [tilespmem:s18], [sflag:$0x5], $0x48, s29, s17, $0xb8;
	[tilespmem:$0x1E208] =	vst v63  }
0x70: {  	_ =	swait.ge [sflag:s15], $0x2400  }
0x71: {  	[sflag:s15] =	ssyncset.done $0x0  }
0x72: {  	s29 =	sadd.s32 $0x280, s16;
	[sflag:s15] =	ssyncadd.s32 $0xFFFFDC00  }
0x73: {  	[tilespmem:s18], [sflag:$0x2] =	stream.indirect.gather [hbm4b:s4+s17], $0x48, s29, s17, $0xb8;
	[tilespmem:$0x1E208] =	vst v63  }
0x74: {  	_ =	swait.ge [sflag:s26], $0x2400  }
0x75: {  	[sflag:s26] =	ssyncset.done $0x0  }
0x76: {  	s29 =	sadd.s32 $0x5100, s16;
	[sflag:s26] =	ssyncadd.s32 $0xFFFFDC00  }
0x77: {  	[spmem:s2] =	stream.indirect.scatter.add.f32 [tilespmem:s20], [sflag:$0x5], $0x48, s29, s17, $0xb8;
	[tilespmem:$0x1E208] =	vst v63  }
0x78: {  	_ =	swait.ge [sflag:s15], $0x2400  }
0x79: {  	[sflag:s15] =	ssyncset.done $0x0  }
0x7a: {  	s29 =	sadd.s32 $0x300, s16;
	[sflag:s15] =	ssyncadd.s32 $0xFFFFDC00  }
0x7b: {  	[tilespmem:s20], [sflag:$0x3] =	stream.indirect.gather [hbm4b:s4+s17], $0x48, s29, s17, $0xb8;
	[tilespmem:$0x1E208] =	vst v63  }
0x7c: {  	_ =	swait.ge [sflag:s28], $0x2400  }
0x7d: {  	[sflag:s28] =	ssyncset.done $0x0  }
.Ltmp1:
0x7e: {  	s29 =	sadd.s32 $0x5180, s16;
	[sflag:s28] =	ssyncadd.s32 $0xFFFFDC00;
	(pc) =	sbr.rel @p0 .LBB2_4-.Ltmp1, $4  }
0x7f: {  	[spmem:s2] =	stream.indirect.scatter.add.f32 [tilespmem:s22], [sflag:$0x5], $0x48, s29, s17, $0xb8;
	[tilespmem:$0x1E208] =	vst v63  }
0x80: {  	_ =	swait.ge [sflag:s15], $0x2400  }
0x81: {  	[sflag:s15] =	ssyncset.done $0x0  }
0x82: {  	s16 =	sadd.s32 $0x380, s16;
	[sflag:s15] =	ssyncadd.s32 $0xFFFFDC00  }
0x83: {  	[tilespmem:s22], [sflag:$0x4] =	stream.indirect.gather [hbm4b:s4+s17], $0x48, s16, s17, $0xb8;
	[tilespmem:$0x1E208] =	vst v63  }
0x84: {  	_ =	swait.ge [sflag:s23], $0x2400  }
0x85: {  	[sflag:s23] =	ssyncset.done $0x0  }
0x86: {  	s0 =	simm.s32 $0x9E00;
	[sflag:s23] =	ssyncadd.s32 $0xFFFFDC00  }
0x87: {  	[spmem:s2] =	stream.indirect.scatter.add.f32 [tilespmem:s14], [sflag:$0x5], $0x48, s0, s17, $0xb8;
	[tilespmem:$0x1E208] =	vst v63  }
0x88: {  	_ =	swait.ge [sflag:s15], $0x2400  }
0x89: {  	[sflag:s15] =	ssyncset.done $0x0  }
0x8a: {  	s16 =	simm.s32 $0x0;
	[sflag:s15] =	ssyncadd.s32 $0xFFFFDC00  }
0x8b: {  	[tilespmem:s14], [sflag:$0x1] =	stream.indirect.gather [hbm4b:s4+s17], $0x48, s16, s17, $0xb8;
	[tilespmem:$0x1E208] =	vst v63  }
0x8c: {  	_ =	swait.ge [sflag:s24], $0x2400  }
0x8d: {  	[sflag:s24] =	ssyncset.done $0x0  }
0x8e: {  	[sflag:s24] =	ssyncadd.s32 $0xFFFFDC00  }
0x8f: {  	[spmem:s2] =	stream.indirect.scatter.add.f32 [tilespmem:s18], [sflag:$0x5], $0x48, s30, s17, $0xb8;
	[tilespmem:$0x1E208] =	vst v63  }
0x90: {  	_ =	swait.ge [sflag:s15], $0x2400  }
0x91: {  	[sflag:s15] =	ssyncset.done $0x0  }
0x92: {  	[sflag:s15] =	ssyncadd.s32 $0xFFFFDC00  }
0x93: {  	[tilespmem:s18], [sflag:$0x2] =	stream.indirect.gather [hbm4b:s4+s17], $0x48, s17, s17, $0xb8;
	[tilespmem:$0x1E208] =	vst v63  }
0x94: {  	_ =	swait.ge [sflag:s26], $0x2400  }
0x95: {  	[sflag:s26] =	ssyncset.done $0x0  }
0x96: {  	[sflag:s26] =	ssyncadd.s32 $0xFFFFDC00  }
0x97: {  	[spmem:s2] =	stream.indirect.scatter.add.f32 [tilespmem:s20], [sflag:$0x5], $0x48, s31, s17, $0xb8;
	[tilespmem:$0x1E208] =	vst v63  }
0x98: {  	_ =	swait.ge [sflag:s15], $0x2400  }
0x99: {  	[sflag:s15] =	ssyncset.done $0x0  }
0x9a: {  	[sflag:s15] =	ssyncadd.s32 $0xFFFFDC00  }
0x9b: {  	[tilespmem:s20], [sflag:$0x3] =	stream.indirect.gather [hbm4b:s4+s17], $0x48, s19, s17, $0xb8;
	[tilespmem:$0x1E208] =	vst v63  }
0x9c: {  	_ =	swait.ge [sflag:s28], $0x2400  }
0x9d: {  	[sflag:s28] =	ssyncset.done $0x0  }
0x9e: {  	[sflag:s28] =	ssyncadd.s32 $0xFFFFDC00  }
0x9f: {  	[spmem:s2] =	stream.indirect.scatter.add.f32 [tilespmem:s22], [sflag:$0x5], $0x48, s1, s17, $0xb8;
	[tilespmem:$0x1E208] =	vst v63  }
0xa0: {  	_ =	swait.ge [sflag:s15], $0x2400  }
0xa1: {  	[sflag:s15] =	ssyncset.done $0x0  }
0xa2: {  	[sflag:s15] =	ssyncadd.s32 $0xFFFFDC00  }
0xa3: {  	[tilespmem:s22], [sflag:$0x4] =	stream.indirect.gather [hbm4b:s4+s17], $0x48, s21, s17, $0xb8;
	[tilespmem:$0x1E208] =	vst v63  }
0xa4: {  	_ =	swait.ge [sflag:s23], $0x2400  }
0xa5: {  	[sflag:s23] =	ssyncset.done $0x0  }
0xa6: {  	[sflag:s23] =	ssyncadd.s32 $0xFFFFDC00  }
0xa7: {  	_ =	swait.ge [sflag:s24], $0x2400  }
0xa8: {  	[sflag:s24] =	ssyncset.done $0x0  }
0xa9: {  	[sflag:s24] =	ssyncadd.s32 $0xFFFFDC00  }
0xaa: {  	_ =	swait.ge [sflag:s26], $0x2400  }
0xab: {  	[sflag:s26] =	ssyncset.done $0x0  }
0xac: {  	[sflag:s26] =	ssyncadd.s32 $0xFFFFDC00  }
0xad: {  	_ =	swait.ge [sflag:s28], $0x2400  }
0xae: {  	s29 =	stileid.u32;
	s3 =	sadd.s32 $0x1, s3;
	[sflag:s28] =	ssyncset.done $0x0  }
0xaf: {  	p0 =	sne.s32 s3, s13;
	s0 =	sshll.u32 s29, $0x6;
	[sflag:s28] =	ssyncadd.s32 $0xFFFFDC00  }
.Ltmp2:
0xb0: {  	s0 =	sor.u32 $0x1C05, s0;
	[bflag:$0x0] =	sbarrier.arrive $0xFFFF;
	(pc) =	sbr.rel @p0 .LBB2_1-.Ltmp2, $4  }
0xb1: {  	[hbm:s12], [sflag:s0] =	dma.local [spmem:s25], $0x15F9  }
0xb2: {  	_ =	swait.ge [sflag:s15], $0x15F9  }
0xb3: {  	[sflag:s15] =	ssyncset.done $0x0  }
0xb4: {  	[sflag:s15] =	ssyncadd.s32 $0xFFFFEA07  }
0xb5: {  	_ =	sfence.sel $0x180000  }
0xb6: {  	[bflag:$0x0] =	sbarrier.arrive $0xFFFF  }
0xb7: {  	_ =	strace $0x90000047  }
0xb8: {  	s0 =	stileid.u32;
	[bflag:$0x2] =	sbarrier.arrive $0xFFFF  }
0xb9: {  	p0 =	sne.s32 s0, $0x0;
	s0 =	rddreg [dreg:$0x2]  }
0xba: {  	s0 =	sadd.s32 @!p0 $0x100000, s0  }
0xbb: {  	[sflag:s0] =	ssyncadd.tile.s32 @!p0 $0x1;
	_ =	shalt  }
.Lfunc_end2:
_tile_overlayer_lowered:
.L_overlay_start_2:
0xbc: {  	(tag) =	ssettag $0x2  }
0xbd: {  	s0 =	rddreg [dreg:$0x0];
	s2 =	stileid.u32  }
0xbe: {  	s1 =	rddreg [dreg:$0x1];
	p0 =	sne.s32 s2, $0x0  }
0xbf: {  	s3 =	rddreg [dreg:$0x2];
	[bflag:$0x3] =	sbarrier.arrive $0xFFFF;
	s2 =	simm.s32 @!p0 $0x1C05  }
0xc0: {  	[timem:s3], [sflag:s2] =	dma.local @!p0 [hbm:s0], s1  }
0xc1: {  	s0 =	simm.s32 @!p0 $0x5  }
0xc2: {  	_ =	swait.ge @!p0 [sflag:s0], s1  }
0xc3: {  	s1 =	ssub.s32 @!p0 $0x0, s1;
	[sflag:s0] =	ssyncset.done @!p0 $0x0  }
0xc4: {  	[sflag:s0] =	ssyncadd.s32 @!p0 s1  }
0xc5: {  	[bflag:$0x3] =	sbarrier.arrive $0xFFFF  }
0xc6: {  	_ =	shalt  }

// kernel: kernel.9.cloned.1.call-start
scs
__scs_entry_jumppad:
0x0: {  	(pc) =	sbr.rel $0x88, $3  }
0x1: {  	(tag) =	ssettag $0x0;
	lr =	simm.s32 $0x1  }
0x2: {  	[smem:$0x3F97] =	sst lr;
	_ =	strace $0xD0000000  }
0x3: {  	_ = 	snop  }
0x4: {  	_ = 	snop  }
0x5: {  	_ = 	snop  }
0x6: {  	_ = 	snop  }
0x7: {  	_ = 	snop  }
__scs_overlays_trampoline_lowered:
0x8: {  	[smem:$0x3FA6] =	sst s0  }
0x9: {  	[smem:$0x3FA7] =	sst s1  }
0xa: {  	[smem:$0x3FA8] =	sst s2  }
0xb: {  	[smem:$0x3FA9] =	sst s3  }
0xc: {  	[smem:$0x3FAA] =	sst s4  }
0xd: {  	[smem:$0x3FAB] =	sst s5  }
0xe: {  	[smem:$0x3FAC] =	sst s6  }
0xf: {  	[smem:$0x3FAD] =	sst s7  }
0x10: {  	[smem:$0x3FAE] =	sst s8  }
0x11: {  	[smem:$0x3FAF] =	sst s9;
	s0 =	simm.s32 @!p0 $0x0  }
0x12: {  	s1 =	sld [smem:$0x3F95];
	s0 =	simm.s32 @p0 $0x1  }
0x13: {  	[smem:$0x3FB0] =	sst s0;
	s0 =	simm.s32 @!p1 $0x0  }
0x14: {  	s2 =	sld [smem:$0x3F94];
	s0 =	simm.s32 @p1 $0x1  }
0x15: {  	[smem:$0x3FB1] =	sst s0;
	s0 =	simm.s32 @!p2 $0x0  }
0x16: {  	s3 =	sld [smem:$0x3FDB];
	s0 =	simm.s32 @p2 $0x1  }
0x17: {  	s4 =	simm.s32 $0x1BF5;
	[smem:$0x3FB3] =	sst s0  }
0x18: {  	s0 =	sld [smem:$0x3F96];
	_ =	swait.ge [sflag:s4], $0x0  }
0x19: {  	s7 =	sld [smem:$0x3F97]  }
0x1a: {  	s8 =	sadd.s32 $0xFFFFE003, lr  }
0x1b: {  	s9 =	sadd.s32 $0xFFFFFEF7, lr;
	s5 =	simm.s32 $0xFFFFFFFF;
	p2 =	slt.u32 s8, $0xFFFFF086  }
0x1c: {  	p1 =	slt.u32 s9, $0xF7A;
	s5 =	simm.s32 @!p2 $0x0  }
0x1d: {  	s5 =	simm.s32 @p1 $0x1;
	p0 =	seq.s32 s7, s2  }
0x1e: {  	s7 =	smul.u32 @!p0 $0xF7A, s2;
	p2 =	seq.s32 @!p0 s5, $0x0  }
0x1f: {  	s9 =	smul.u32 $0xF7A, s1;
	s8 =	simm.s32 @!p0 $0x1BF5;
	p2 =	por !p2, p0  }
0x20: {  	[sflag:s8] =	ssyncset.s32 @!p0 $0xFFFFF086;
	s6 =	sadd.s32 @!p0 s3, s7;
	s7 =	simm.s32 @!p0 $0x108  }
0x21: {  	s3 =	sadd.s32 s3, s9;
	s6 =	sadd.s32 @!p0 $0x88, s6;
	s7 =	simm.s32 @p2 $0x1082  }
0x22: {  	[simem:s7], [sflag:s8] =	dma.local @!p0 [hbm:s6], $0xF7A  }
0x23: {  	s9 =	sor.u32 $0xD0000000, s2;
	s6 =	simm.s32 $0x108;
	_ =	swait.ge @!p0 [sflag:s8], $0x0  }
0x24: {  	s3 =	sadd.s32 $0x88, s3;
	s6 =	simm.s32 @!p1 $0x1082;
	[sflag:s4] =	ssyncset.s32 $0xFFFFF086  }
0x25: {  	[simem:s6], [sflag:s4] =	dma.local [hbm:s3], $0xF7A  }
0x26: {  	[smem:$0x3F97] =	sst s1;
	(tag) =	ssettag s2;
	_ =	strace s9  }
0x27: {  	s1 =	sld [smem:$0x3FA7]  }
0x28: {  	s2 =	sld [smem:$0x3FA8]  }
0x29: {  	s4 =	sld [smem:$0x3FAA]  }
0x2a: {  	p0 =	seq.s32 s5, $0x0;
	s5 =	sld [smem:$0x3FAB]  }
0x2b: {  	s6 =	sld [smem:$0x3FAC]  }
0x2c: {  	s7 =	sld [smem:$0x3FAD]  }
0x2d: {  	s3 =	simm.s32 $0x108;
	s8 =	sld [smem:$0x3FAE]  }
0x2e: {  	s3 =	simm.s32 @!p0 $0x1082;
	s9 =	sld [smem:$0x3FAF]  }
0x2f: {  	lr =	sadd.s32 s0, s3;
	s0 =	sld [smem:$0x3FA6]  }
0x30: {  	s3 =	sld [smem:$0x3FA9]  }
0x31: {  	[smem:$0x3FB2] =	sst s10  }
0x32: {  	s10 =	sld [smem:$0x3FB0];
	_ =	sdelay $0x3  }
0x33: {  	p0 =	seq.s32 s10, $0x1;
	s10 =	sld [smem:$0x3FB2];
	_ =	sdelay $0x3  }
0x34: {  	[smem:$0x3FB2] =	sst s10  }
0x35: {  	s10 =	sld [smem:$0x3FB1];
	_ =	sdelay $0x3  }
0x36: {  	p1 =	seq.s32 s10, $0x1;
	s10 =	sld [smem:$0x3FB2];
	_ =	sdelay $0x3  }
0x37: {  	[smem:$0x3FB2] =	sst s10  }
0x38: {  	s10 =	sld [smem:$0x3FB3]  }
0x39: {  	_ = 	snop;
	(pc) =	sbr.ind lr, $3  }
0x3a: {  	_ = 	snop  }
0x3b: {  	_ = 	snop  }
0x3c: {  	p2 =	seq.s32 s10, $0x1;
	s10 =	sld [smem:$0x3FB2]  }
0x3d: {  	_ =	shalt  }
0x3e: {  	_ =	shalt  }
0x3f: {  	_ =	shalt  }
0x40: {  	_ =	shalt  }
0x41: {  	_ =	shalt  }
0x42: {  	_ =	shalt  }
0x43: {  	_ =	shalt  }
0x44: {  	_ =	shalt  }
0x45: {  	_ =	shalt  }
0x46: {  	_ =	shalt  }
0x47: {  	_ =	shalt  }
0x48: {  	_ =	shalt  }
0x49: {  	_ =	shalt  }
0x4a: {  	_ =	shalt  }
0x4b: {  	_ =	shalt  }
0x4c: {  	_ =	shalt  }
0x4d: {  	_ =	shalt  }
0x4e: {  	_ =	shalt  }
0x4f: {  	_ =	shalt  }
0x50: {  	_ =	shalt  }
0x51: {  	_ =	shalt  }
0x52: {  	_ =	shalt  }
0x53: {  	_ =	shalt  }
0x54: {  	_ =	shalt  }
0x55: {  	_ =	shalt  }
0x56: {  	_ =	shalt  }
0x57: {  	_ =	shalt  }
0x58: {  	_ =	shalt  }
0x59: {  	_ =	shalt  }
0x5a: {  	_ =	shalt  }
0x5b: {  	_ =	shalt  }
0x5c: {  	_ =	shalt  }
0x5d: {  	_ =	shalt  }
0x5e: {  	_ =	shalt  }
0x5f: {  	_ =	shalt  }
0x60: {  	_ =	shalt  }
0x61: {  	_ =	shalt  }
0x62: {  	_ =	shalt  }
0x63: {  	_ =	shalt  }
0x64: {  	_ =	shalt  }
0x65: {  	_ =	shalt  }
0x66: {  	_ =	shalt  }
0x67: {  	_ =	shalt  }
0x68: {  	_ =	shalt  }
0x69: {  	_ =	shalt  }
0x6a: {  	_ =	shalt  }
0x6b: {  	_ =	shalt  }
0x6c: {  	_ =	shalt  }
0x6d: {  	_ =	shalt  }
0x6e: {  	_ =	shalt  }
0x6f: {  	_ =	shalt  }
0x70: {  	_ =	shalt  }
0x71: {  	_ =	shalt  }
0x72: {  	_ =	shalt  }
0x73: {  	_ =	shalt  }
0x74: {  	_ =	shalt  }
0x75: {  	_ =	shalt  }
0x76: {  	_ =	shalt  }
0x77: {  	_ =	shalt  }
0x78: {  	_ =	shalt  }
0x79: {  	_ =	shalt  }
0x7a: {  	_ =	shalt  }
0x7b: {  	_ =	shalt  }
0x7c: {  	_ =	shalt  }
0x7d: {  	_ =	shalt  }
0x7e: {  	_ =	shalt  }
0x7f: {  	_ =	shalt  }
0x80: {  	_ =	shalt  }
0x81: {  	_ =	shalt  }
0x82: {  	_ =	shalt  }
0x83: {  	_ =	shalt  }
0x84: {  	_ =	shalt  }
0x85: {  	_ =	shalt  }
0x86: {  	_ =	shalt  }
0x87: {  	_ =	shalt  }
.Lfunc_end0:
.L_simem_size_0:
called_computation.1_lowered:
.L_overlay_start_0:
0x88: {  	s2 =	sld [smem:$0x3FD9]  }
0x89: {  	s3 =	sld [smem:$0x3FFE];
	_ =	sdelay $0x1  }
0x8a: {  	s1 =	srdreg.scid  }
0x8b: {  	s0 =	sand.u32 $0x1, s1  }
0x8c: {  	s16 =	sshll.u32 s0, $0xA;
	s2 =	sadd.s32 s3, s2  }
0x8d: {  	s2 =	sadd.s32 s2, s16  }
0x8e: {  	[smem:$0x3FBE] =	sst s2  }
0x8f: {  	_ = 	snop  }
0x90: {  	(tm) =	ssettm $0x1  }
0x91: {  	s17 =	sld [smem:$0x3FFB];
	_ =	sdelay $0x3  }
0x92: {  	_ =	strace s17  }
0x93: {  	s2 =	sld [smem:$0x3FFC];
	_ =	sdelay $0x3  }
0x94: {  	_ =	strace s2  }
0x95: {  	s2 =	sld [smem:$0x3FFD];
	_ =	sdelay $0x3  }
0x96: {  	_ =	strace s2  }
0x97: {  	_ =	strace $0x8FFFFFFF  }
0x98: {  	s18 =	sld [smem:$0x3FDB];
	_ =	sdelay $0x1  }
0x99: {  	s19 =	simm.s32 $_scs_section_size  }
0x9a: {  	s4 =	simm.s32 $_size__tile_overlayer_lowered;
	s5 =	simm.s32 $_tile_overlayer_lowered  }
0x9b: {  	s22 =	simm.s32 $0x1BFF;
	s21 =	sshll.u32 s5, $0x1;
	s2 =	sadd.s32 s19, s18  }
0x9c: {  	s6 =	simm.s32 $0x0;
	s20 =	sshll.u32 s4, $0x1;
	s4 =	sadd.s32 s21, s2  }
0x9d: {  	[timem:s6], [sflag:s22] =	dma.local [hbm:s4], s20  }
0x9e: {  	_ =	swait.ge [sflag:s22], s20  }
0x9f: {  	s3 =	ssub.s32 $0x0, s20;
	[sflag:s22] =	ssyncset.done $0x0  }
0xa0: {  	[sflag:s22] =	ssyncadd.s32 s3;
	_ =	sdelay $0x1  }
0xa1: {  	s23 =	simm.s32 $0x1B8B  }
0xa2: {  	_ =	swait.ge [sflag:s23], $0x1  }
0xa3: {  	[sflag:s23] =	ssyncset.done $0x0  }
0xa4: {  	s25 =	simm.s32 $0x1B8E;
	s24 =	sld [smem:$0x3FFE];
	[sflag:s23] =	ssyncadd.s32 $0xFFFFFFFF  }
0xa5: {  	s26 =	simm.s32 $execute0_lowered;
	[smem:$0x3FD2] =	sst s25  }
0xa6: {  	s4 =	sshll.u32 s26, $0x1;
	_ =	strace $0x80000049;
	[dreg:$0x1] =	wrdreg $0xFFFFFFFF  }
0xa7: {  	s28 =	simm.s32 $_size_execute0_lowered;
	s2 =	sadd.s32 s2, s4;
	[dreg:$0x0] =	wrdreg $0x0  }
0xa8: {  	s4 =	sshll.u32 s28, $0x1;
	[dreg:$0x2] =	wrdreg s2  }
0xa9: {  	[dreg:$0x3] =	wrdreg s4  }
0xaa: {  	[dreg:$0x4] =	wrdreg $0xC0  }
0xab: {  	_ =	task [dreg:s6], $0x5FFFF  }
0xac: {  	[dreg:$0x1] =	wrdreg $0xFFFFFFFF  }
0xad: {  	[dreg:$0x0] =	wrdreg $0x60  }
0xae: {  	[dreg:$0x2] =	wrdreg s24  }
0xaf: {  	[dreg:$0x3] =	wrdreg $0x120000  }
0xb0: {  	[dreg:$0x4] =	wrdreg $0x9  }
0xb1: {  	_ =	task.clear_ibuf [dreg:s6], $0x5FFFF;
	_ =	strace $0x90000049  }
0xb2: {  	s29 =	simm.s32 $0x9;
	_ =	strace $0x8000004B  }
0xb3: {  	_ =	swait.ge [sflag:s29], $0x1  }
0xb4: {  	[sflag:s29] =	ssyncadd.s32 $0xFFFFFFFF  }
0xb5: {  	_ =	strace $0x9000004B  }
0xb6: {  	_ =	sfence  }
0xb7: {  	s30 =	sld [smem:$0x0];
	_ =	sdelay $0x2  }
0xb8: {  	s31 =	sshll.u32 s1, $0xD;
	s1 =	sshrl.u32 s1, $0x2  }
0xb9: {  	s3 =	sand.u32 $0x4000, s31;
	s1 =	sadd.s32 s1, s30  }
0xba: {  	s0 =	sor.u32 s3, s0;
	s1 =	sshll.u32 s1, $0x11  }
0xbb: {  	s0 =	sor.u32 s1, s0  }
0xbc: {  	s0 =	sadd.s32 $0x8F2B, s0  }
0xbd: {  	[sflag:s0] =	ssyncadd.remote.s32 $0x1  }
0xbe: {  	_ =	sfence.sel $0xFFFF  }
0xbf: {  	[dreg:$0x0] =	wrdreg $0xFFFFFFFF;
	(pc) =	sbr.abs _section_cstart, $3  }
0xc0: {  	[dreg:$0x1] =	wrdreg $0xFFFFFFFF  }
0xc1: {  	_ =	task.clear_ibuf [dreg:s6], $0x2FFFF;
	_ =	strace $0x9FFFFFFF  }
0xc2: {  	(tm) =	ssettm $0x7FFFFFFF  }
0xc3: {  	_ =	shalt  }
tec
execute0_lowered:
.L_overlay_start_1:
0x0: {  	(tag) =	ssettag $0x1  }
0x1: {  	s0 =	rddreg [dreg:$0x0];
	s1 =	srdreg.scid  }
0x2: {  	s7 =	stileid.u32;
	s2 =	rddreg [dreg:$0x1];
	s5 =	simm.s32 $0x0  }
0x3: {  	s14 =	simm.s32 $0xA000;
	s15 =	simm.s32 $0x5;
	s17 =	simm.s32 $0x80  }
0x4: {  	s18 =	simm.s32 $0xC000;
	s19 =	simm.s32 $0x100;
	s20 =	simm.s32 $0xE000  }
0x5: {  	s21 =	simm.s32 $0x180;
	s22 =	simm.s32 $0x10000;
	s3 =	smul.u32 $0x5000, s7  }
0x6: {  	s23 =	simm.s32 $0x1;
	s28 =	simm.s32 $0x4;
	s13 =	smul.u32 $0x9C40, s7  }
0x7: {  	s30 =	simm.s32 $0x9E80;
	s1 =	sand.u32 $0x1, s1;
	s7 =	smul.u32 $0x27900, s7  }
0x8: {  	s31 =	simm.s32 $0x9F00;
	[smem:$0x7FF] =	sst s5;
	s4 =	smul.u32 $0x50000, s1  }
0x9: {  	s24 =	smul.u32 $0x9C400, s1;
	_ =	strace $0x8000004A;
	s1 =	ssub.s32 $0x2, s1  }
0xa: {  	s25 =	sshrl.u32 s7, $0x2;
	s8 =	sshrl.u32 s1, $0x1;
	s29 =	sadd.s32 s13, s2  }
0xb: {  	s4 =	sadd.s32 s3, s4;
	s3 =	sshrl.u32 s3, $0x3;
	s5 =	sadd.s32 s13, s24  }
0xc: {  	s1 =	ssub.s32 s1, s8;
	s24 =	simm.s32 $0x2;
	s6 =	sshrl.u32 s4, $0x3  }
0xd: {  	s4 =	sadd.s32 $0x1FC00, s0;
	s3 =	sadd.s32 s3, s0;
	s26 =	sshrl.u32 s5, $0x3  }
0xe: {  	s5 =	sadd.s32 s25, s2;
	s13 =	smax.u32 s1, $0x1;
	s25 =	sshrl.u32 s29, $0x3  }
0xf: {  	s1 =	simm.s32 $0x9F80;
	s10 =	sadd.s32 s6, s0;
	s0 =	sadd.s32 s26, s0  }
0x10: {  	s6 =	sadd.s32 $0x2000, s5;
	s7 =	sadd.s32 $0x4000, s5;
	s8 =	sadd.s32 $0x6000, s5  }
0x11: {  	s9 =	sadd.s32 $0x8000, s5;
	s11 =	sadd.s32 $0x1C00, s3;
	s26 =	simm.s32 $0x3  }
0x12: {  	v0 =	vimm.f32 $0.0e+00;
	s3 =	simm.s32 $0x0;
	s10 =	sadd.s32 $0xBC00, s10;
	s12 =	sadd.s32 $0x46E00, s0  }
.LBB2_1:
0x13: {  	s16 =	simm.s32 $0x100;
	s0 =	simm.s32 $0x0  }
.LBB2_2:
0x14: {  	p0 =	sne.s32 s16, $0x7F00;
	[tilespmem:s0+$0xA030] =	vst v0;
	s29 =	smov.u32 s16;
	s16 =	sadd.s32 $0x100, s16  }
.Ltmp0:
0x15: {  	[tilespmem:s0+$0xA020] =	vst v0;
	(pc) =	sbr.rel @p0 .LBB2_2-.Ltmp0, $3  }
0x16: {  	[tilespmem:s0+$0xA000] =	vst v0  }
0x17: {  	[tilespmem:s0+$0xA010] =	vst v0;
	_ =	sdelay $0x1  }
0x18: {  	s0 =	sshra.s32 s29, $0x2  }
0x19: {  	[tilespmem:s0+$0xA030] =	vst v0  }
0x1a: {  	[tilespmem:s0+$0xA020] =	vst v0  }
0x1b: {  	[tilespmem:s0+$0xA000] =	vst v0  }
0x1c: {  	[tilespmem:s0+$0xA010] =	vst v0  }
0x1d: {  	[spmem:s5] =	stream.linear.scatter [tilespmem:s14], [sflag:$0x5], $0x2000, $0x38;
	[tilespmem:$0x1BE40] =	vst v63  }
0x1e: {  	_ =	swait.ge [sflag:s15], $0x2000  }
0x1f: {  	[sflag:s15] =	ssyncset.done $0x0  }
0x20: {  	[sflag:s15] =	ssyncadd.s32 $0xFFFFE000  }
0x21: {  	[spmem:s6] =	stream.linear.scatter [tilespmem:s14], [sflag:$0x5], $0x2000, $0x38;
	[tilespmem:$0x1BE40] =	vst v63  }
0x22: {  	_ =	swait.ge [sflag:s15], $0x2000  }
0x23: {  	[sflag:s15] =	ssyncset.done $0x0  }
0x24: {  	[sflag:s15] =	ssyncadd.s32 $0xFFFFE000  }
0x25: {  	[spmem:s7] =	stream.linear.scatter [tilespmem:s14], [sflag:$0x5], $0x2000, $0x38;
	[tilespmem:$0x1BE40] =	vst v63  }
0x26: {  	_ =	swait.ge [sflag:s15], $0x2000  }
0x27: {  	[sflag:s15] =	ssyncset.done $0x0  }
0x28: {  	[sflag:s15] =	ssyncadd.s32 $0xFFFFE000  }
0x29: {  	[spmem:s8] =	stream.linear.scatter [tilespmem:s14], [sflag:$0x5], $0x2000, $0x38;
	[tilespmem:$0x1BE40] =	vst v63  }
0x2a: {  	_ =	swait.ge [sflag:s15], $0x2000  }
0x2b: {  	[sflag:s15] =	ssyncset.done $0x0  }
0x2c: {  	[sflag:s15] =	ssyncadd.s32 $0xFFFFE000  }
0x2d: {  	[spmem:s9] =	stream.linear.scatter [tilespmem:s14], [sflag:$0x5], $0x1E40, $0x38;
	[tilespmem:$0x1BE40] =	vst v63  }
0x2e: {  	_ =	swait.ge [sflag:s15], $0x1E40  }
0x2f: {  	[sflag:s15] =	ssyncset.done $0x0  }
0x30: {  	s29 =	simm.s32 $0x0;
	[sflag:s15] =	ssyncadd.s32 $0xFFFFE1C0  }
0x31: {  	[tilespmem:s29], [sflag:$0x5] =	stream.linear.gather [hbm4b:s10+s29], $0x5000, $0x38;
	[tilespmem:$0x1BE40] =	vst v63  }
0x32: {  	_ =	swait.ge [sflag:s15], $0x5000  }
0x33: {  	[sflag:s15] =	ssyncset.done $0x0  }
0x34: {  	s16 =	simm.s32 $0x5000;
	[sflag:s15] =	ssyncadd.s32 $0xFFFFB000  }
0x35: {  	[tilespmem:s16], [sflag:$0x5] =	stream.linear.gather [hbm4b:s11+s29], $0x5000, $0x38;
	[tilespmem:$0x1BE40] =	vst v63  }
0x36: {  	_ =	swait.ge [sflag:s15], $0x5000  }
0x37: {  	[sflag:s15] =	ssyncset.done $0x0  }
0x38: {  	[sflag:s15] =	ssyncadd.s32 $0xFFFFB000  }
0x39: {  	[bflag:$0x0] =	sbarrier.arrive $0xFFFF  }
0x3a: {  	[tilespmem:s14], [sflag:$0x1] =	stream.indirect.gather [hbm4b:s4+s17], $0x40, s29, s17, $0xb8;
	[tilespmem:$0x1BE40] =	vst v63  }
0x3b: {  	_ = 	snop  }
0x3c: {  	[tilespmem:s18], [sflag:$0x2] =	stream.indirect.gather [hbm4b:s4+s17], $0x40, s17, s17, $0xb8;
	[tilespmem:$0x1BE40] =	vst v63  }
0x3d: {  	_ = 	snop  }
0x3e: {  	[tilespmem:s20], [sflag:$0x3] =	stream.indirect.gather [hbm4b:s4+s17], $0x40, s19, s17, $0xb8;
	[tilespmem:$0x1BE40] =	vst v63  }
0x3f: {  	_ = 	snop  }
0x40: {  	[tilespmem:s22], [sflag:$0x4] =	stream.indirect.gather [hbm4b:s4+s17], $0x40, s21, s17, $0xb8;
	[tilespmem:$0x1BE40] =	vst v63  }
0x41: {  	_ =	swait.ge [sflag:s23], $0x2000  }
0x42: {  	[sflag:s23] =	ssyncset.done $0x0  }
0x43: {  	s29 =	simm.s32 $0x5000;
	[sflag:s23] =	ssyncadd.s32 $0xFFFFE000  }
0x44: {  	[spmem:s2] =	stream.indirect.scatter.add.f32 [tilespmem:s14], [sflag:$0x5], $0x40, s29, s17, $0xb8;
	[tilespmem:$0x1BE40] =	vst v63  }
0x45: {  	_ =	swait.ge [sflag:s15], $0x2000  }
0x46: {  	[sflag:s15] =	ssyncset.done $0x0  }
0x47: {  	s16 =	simm.s32 $0x200;
	[sflag:s15] =	ssyncadd.s32 $0xFFFFE000  }
0x48: {  	[tilespmem:s14], [sflag:$0x1] =	stream.indirect.gather [hbm4b:s4+s17], $0x40, s16, s17, $0xb8;
	[tilespmem:$0x1BE40] =	vst v63  }
0x49: {  	_ =	swait.ge [sflag:s24], $0x2000  }
0x4a: {  	[sflag:s24] =	ssyncset.done $0x0  }
0x4b: {  	s29 =	simm.s32 $0x5080;
	[sflag:s24] =	ssyncadd.s32 $0xFFFFE000  }
0x4c: {  	[spmem:s2] =	stream.indirect.scatter.add.f32 [tilespmem:s18], [sflag:$0x5], $0x40, s29, s17, $0xb8;
	[tilespmem:$0x1BE40] =	vst v63  }
0x4d: {  	_ =	swait.ge [sflag:s15], $0x2000  }
0x4e: {  	[sflag:s15] =	ssyncset.done $0x0  }
0x4f: {  	s16 =	simm.s32 $0x280;
	[sflag:s15] =	ssyncadd.s32 $0xFFFFE000  }
0x50: {  	[tilespmem:s18], [sflag:$0x2] =	stream.indirect.gather [hbm4b:s4+s17], $0x40, s16, s17, $0xb8;
	[tilespmem:$0x1BE40] =	vst v63  }
0x51: {  	_ =	swait.ge [sflag:s26], $0x2000  }
0x52: {  	[sflag:s26] =	ssyncset.done $0x0  }
0x53: {  	s29 =	simm.s32 $0x5100;
	[sflag:s26] =	ssyncadd.s32 $0xFFFFE000  }
0x54: {  	[spmem:s2] =	stream.indirect.scatter.add.f32 [tilespmem:s20], [sflag:$0x5], $0x40, s29, s17, $0xb8;
	[tilespmem:$0x1BE40] =	vst v63  }
0x55: {  	_ =	swait.ge [sflag:s15], $0x2000  }
0x56: {  	[sflag:s15] =	ssyncset.done $0x0  }
0x57: {  	s16 =	simm.s32 $0x300;
	[sflag:s15] =	ssyncadd.s32 $0xFFFFE000  }
0x58: {  	[tilespmem:s20], [sflag:$0x3] =	stream.indirect.gather [hbm4b:s4+s17], $0x40, s16, s17, $0xb8;
	[tilespmem:$0x1BE40] =	vst v63  }
0x59: {  	_ =	swait.ge [sflag:s28], $0x2000  }
0x5a: {  	[sflag:s28] =	ssyncset.done $0x0  }
0x5b: {  	s29 =	simm.s32 $0x5180;
	[sflag:s28] =	ssyncadd.s32 $0xFFFFE000  }
0x5c: {  	[spmem:s2] =	stream.indirect.scatter.add.f32 [tilespmem:s22], [sflag:$0x5], $0x40, s29, s17, $0xb8;
	[tilespmem:$0x1BE40] =	vst v63  }
0x5d: {  	_ =	swait.ge [sflag:s15], $0x2000  }
0x5e: {  	[sflag:s15] =	ssyncset.done $0x0  }
0x5f: {  	s0 =	simm.s32 $0x800;
	s16 =	simm.s32 $0x380;
	[sflag:s15] =	ssyncadd.s32 $0xFFFFE000  }
.LBB2_4:
0x60: {  	[tilespmem:s22], [sflag:$0x4] =	stream.indirect.gather [hbm4b:s4+s17], $0x40, s16, s17, $0xb8;
	[tilespmem:$0x1BE40] =	vst v63  }
0x61: {  	s16 =	smov.u32 s0  }
0x62: {  	p0 =	sne.s32 s0, $0x13000;
	s0 =	sadd.s32 $0x800, s0;
	_ =	swait.ge [sflag:s23], $0x2000  }
0x63: {  	s16 =	sshra.s32 s16, $0x2;
	[sflag:s23] =	ssyncset.done $0x0  }
0x64: {  	s29 =	sadd.s32 $0x5000, s16;
	[sflag:s23] =	ssyncadd.s32 $0xFFFFE000  }
0x65: {  	[spmem:s2] =	stream.indirect.scatter.add.f32 [tilespmem:s14], [sflag:$0x5], $0x40, s29, s17, $0xb8;
	[tilespmem:$0x1BE40] =	vst v63  }
0x66: {  	_ =	swait.ge [sflag:s15], $0x2000  }
0x67: {  	[sflag:s15] =	ssyncset.done $0x0  }
0x68: {  	s29 =	sadd.s32 $0x200, s16;
	[sflag:s15] =	ssyncadd.s32 $0xFFFFE000  }
0x69: {  	[tilespmem:s14], [sflag:$0x1] =	stream.indirect.gather [hbm4b:s4+s17], $0x40, s29, s17, $0xb8;
	[tilespmem:$0x1BE40] =	vst v63  }
0x6a: {  	_ =	swait.ge [sflag:s24], $0x2000  }
0x6b: {  	[sflag:s24] =	ssyncset.done $0x0  }
0x6c: {  	s29 =	sadd.s32 $0x5080, s16;
	[sflag:s24] =	ssyncadd.s32 $0xFFFFE000  }
0x6d: {  	[spmem:s2] =	stream.indirect.scatter.add.f32 [tilespmem:s18], [sflag:$0x5], $0x40, s29, s17, $0xb8;
	[tilespmem:$0x1BE40] =	vst v63  }
0x6e: {  	_ =	swait.ge [sflag:s15], $0x2000  }
0x6f: {  	[sflag:s15] =	ssyncset.done $0x0  }
0x70: {  	s29 =	sadd.s32 $0x280, s16;
	[sflag:s15] =	ssyncadd.s32 $0xFFFFE000  }
0x71: {  	[tilespmem:s18], [sflag:$0x2] =	stream.indirect.gather [hbm4b:s4+s17], $0x40, s29, s17, $0xb8;
	[tilespmem:$0x1BE40] =	vst v63  }
0x72: {  	_ =	swait.ge [sflag:s26], $0x2000  }
0x73: {  	[sflag:s26] =	ssyncset.done $0x0  }
0x74: {  	s29 =	sadd.s32 $0x5100, s16;
	[sflag:s26] =	ssyncadd.s32 $0xFFFFE000  }
0x75: {  	[spmem:s2] =	stream.indirect.scatter.add.f32 [tilespmem:s20], [sflag:$0x5], $0x40, s29, s17, $0xb8;
	[tilespmem:$0x1BE40] =	vst v63  }
0x76: {  	_ =	swait.ge [sflag:s15], $0x2000  }
0x77: {  	[sflag:s15] =	ssyncset.done $0x0  }
0x78: {  	s29 =	sadd.s32 $0x300, s16;
	[sflag:s15] =	ssyncadd.s32 $0xFFFFE000  }
0x79: {  	[tilespmem:s20], [sflag:$0x3] =	stream.indirect.gather [hbm4b:s4+s17], $0x40, s29, s17, $0xb8;
	[tilespmem:$0x1BE40] =	vst v63  }
0x7a: {  	_ =	swait.ge [sflag:s28], $0x2000  }
0x7b: {  	[sflag:s28] =	ssyncset.done $0x0  }
.Ltmp1:
0x7c: {  	s29 =	sadd.s32 $0x5180, s16;
	[sflag:s28] =	ssyncadd.s32 $0xFFFFE000;
	(pc) =	sbr.rel @p0 .LBB2_4-.Ltmp1, $4  }
0x7d: {  	[spmem:s2] =	stream.indirect.scatter.add.f32 [tilespmem:s22], [sflag:$0x5], $0x40, s29, s17, $0xb8;
	[tilespmem:$0x1BE40] =	vst v63  }
0x7e: {  	_ =	swait.ge [sflag:s15], $0x2000  }
0x7f: {  	[sflag:s15] =	ssyncset.done $0x0  }
0x80: {  	s16 =	sadd.s32 $0x380, s16;
	[sflag:s15] =	ssyncadd.s32 $0xFFFFE000  }
0x81: {  	[tilespmem:s22], [sflag:$0x4] =	stream.indirect.gather [hbm4b:s4+s17], $0x40, s16, s17, $0xb8;
	[tilespmem:$0x1BE40] =	vst v63  }
0x82: {  	_ =	swait.ge [sflag:s23], $0x2000  }
0x83: {  	[sflag:s23] =	ssyncset.done $0x0  }
0x84: {  	s0 =	simm.s32 $0x9E00;
	[sflag:s23] =	ssyncadd.s32 $0xFFFFE000  }
0x85: {  	[spmem:s2] =	stream.indirect.scatter.add.f32 [tilespmem:s14], [sflag:$0x5], $0x40, s0, s17, $0xb8;
	[tilespmem:$0x1BE40] =	vst v63  }
0x86: {  	_ =	swait.ge [sflag:s15], $0x2000  }
0x87: {  	[sflag:s15] =	ssyncset.done $0x0  }
0x88: {  	s16 =	simm.s32 $0x0;
	[sflag:s15] =	ssyncadd.s32 $0xFFFFE000  }
0x89: {  	[tilespmem:s14], [sflag:$0x1] =	stream.indirect.gather [hbm4b:s4+s17], $0x40, s16, s17, $0xb8;
	[tilespmem:$0x1BE40] =	vst v63  }
0x8a: {  	_ =	swait.ge [sflag:s24], $0x2000  }
0x8b: {  	[sflag:s24] =	ssyncset.done $0x0  }
0x8c: {  	[sflag:s24] =	ssyncadd.s32 $0xFFFFE000  }
0x8d: {  	[spmem:s2] =	stream.indirect.scatter.add.f32 [tilespmem:s18], [sflag:$0x5], $0x40, s30, s17, $0xb8;
	[tilespmem:$0x1BE40] =	vst v63  }
0x8e: {  	_ =	swait.ge [sflag:s15], $0x2000  }
0x8f: {  	[sflag:s15] =	ssyncset.done $0x0  }
0x90: {  	[sflag:s15] =	ssyncadd.s32 $0xFFFFE000  }
0x91: {  	[tilespmem:s18], [sflag:$0x2] =	stream.indirect.gather [hbm4b:s4+s17], $0x40, s17, s17, $0xb8;
	[tilespmem:$0x1BE40] =	vst v63  }
0x92: {  	_ =	swait.ge [sflag:s26], $0x2000  }
0x93: {  	[sflag:s26] =	ssyncset.done $0x0  }
0x94: {  	[sflag:s26] =	ssyncadd.s32 $0xFFFFE000  }
0x95: {  	[spmem:s2] =	stream.indirect.scatter.add.f32 [tilespmem:s20], [sflag:$0x5], $0x40, s31, s17, $0xb8;
	[tilespmem:$0x1BE40] =	vst v63  }
0x96: {  	_ =	swait.ge [sflag:s15], $0x2000  }
0x97: {  	[sflag:s15] =	ssyncset.done $0x0  }
0x98: {  	[sflag:s15] =	ssyncadd.s32 $0xFFFFE000  }
0x99: {  	[tilespmem:s20], [sflag:$0x3] =	stream.indirect.gather [hbm4b:s4+s17], $0x40, s19, s17, $0xb8;
	[tilespmem:$0x1BE40] =	vst v63  }
0x9a: {  	_ =	swait.ge [sflag:s28], $0x2000  }
0x9b: {  	[sflag:s28] =	ssyncset.done $0x0  }
0x9c: {  	[sflag:s28] =	ssyncadd.s32 $0xFFFFE000  }
0x9d: {  	[spmem:s2] =	stream.indirect.scatter.add.f32 [tilespmem:s22], [sflag:$0x5], $0x40, s1, s17, $0xb8;
	[tilespmem:$0x1BE40] =	vst v63  }
0x9e: {  	_ =	swait.ge [sflag:s15], $0x2000  }
0x9f: {  	[sflag:s15] =	ssyncset.done $0x0  }
0xa0: {  	[sflag:s15] =	ssyncadd.s32 $0xFFFFE000  }
0xa1: {  	[tilespmem:s22], [sflag:$0x4] =	stream.indirect.gather [hbm4b:s4+s17], $0x40, s21, s17, $0xb8;
	[tilespmem:$0x1BE40] =	vst v63  }
0xa2: {  	_ =	swait.ge [sflag:s23], $0x2000  }
0xa3: {  	[sflag:s23] =	ssyncset.done $0x0  }
0xa4: {  	[sflag:s23] =	ssyncadd.s32 $0xFFFFE000  }
0xa5: {  	_ =	swait.ge [sflag:s24], $0x2000  }
0xa6: {  	[sflag:s24] =	ssyncset.done $0x0  }
0xa7: {  	[sflag:s24] =	ssyncadd.s32 $0xFFFFE000  }
0xa8: {  	_ =	swait.ge [sflag:s26], $0x2000  }
0xa9: {  	[sflag:s26] =	ssyncset.done $0x0  }
0xaa: {  	[sflag:s26] =	ssyncadd.s32 $0xFFFFE000  }
0xab: {  	_ =	swait.ge [sflag:s28], $0x2000  }
0xac: {  	s29 =	stileid.u32;
	s3 =	sadd.s32 $0x1, s3;
	[sflag:s28] =	ssyncset.done $0x0  }
0xad: {  	p0 =	sne.s32 s3, s13;
	s0 =	sshll.u32 s29, $0x6;
	[sflag:s28] =	ssyncadd.s32 $0xFFFFE000  }
.Ltmp2:
0xae: {  	s0 =	sor.u32 $0x1C05, s0;
	[bflag:$0x0] =	sbarrier.arrive $0xFFFF;
	(pc) =	sbr.rel @p0 .LBB2_1-.Ltmp2, $4  }
0xaf: {  	[hbm:s12], [sflag:s0] =	dma.local [spmem:s25], $0x1388  }
0xb0: {  	_ =	swait.ge [sflag:s15], $0x1388  }
0xb1: {  	[sflag:s15] =	ssyncset.done $0x0  }
0xb2: {  	[sflag:s15] =	ssyncadd.s32 $0xFFFFEC78  }
0xb3: {  	_ =	sfence.sel $0x180000  }
0xb4: {  	[bflag:$0x0] =	sbarrier.arrive $0xFFFF  }
0xb5: {  	_ =	strace $0x9000004A  }
0xb6: {  	s0 =	stileid.u32;
	[bflag:$0x2] =	sbarrier.arrive $0xFFFF  }
0xb7: {  	p0 =	sne.s32 s0, $0x0;
	s0 =	rddreg [dreg:$0x2]  }
0xb8: {  	s0 =	sadd.s32 @!p0 $0x100000, s0  }
0xb9: {  	[sflag:s0] =	ssyncadd.tile.s32 @!p0 $0x1;
	_ =	shalt  }
.Lfunc_end2:
_tile_overlayer_lowered:
.L_overlay_start_2:
0xba: {  	(tag) =	ssettag $0x2  }
0xbb: {  	s0 =	rddreg [dreg:$0x0];
	s2 =	stileid.u32  }
0xbc: {  	s1 =	rddreg [dreg:$0x1];
	p0 =	sne.s32 s2, $0x0  }
0xbd: {  	s3 =	rddreg [dreg:$0x2];
	[bflag:$0x3] =	sbarrier.arrive $0xFFFF;
	s2 =	simm.s32 @!p0 $0x1C05  }
0xbe: {  	[timem:s3], [sflag:s2] =	dma.local @!p0 [hbm:s0], s1  }
0xbf: {  	s0 =	simm.s32 @!p0 $0x5  }
0xc0: {  	_ =	swait.ge @!p0 [sflag:s0], s1  }
0xc1: {  	s1 =	ssub.s32 @!p0 $0x0, s1;
	[sflag:s0] =	ssyncset.done @!p0 $0x0  }
0xc2: {  	[sflag:s0] =	ssyncadd.s32 @!p0 s1  }
0xc3: {  	[bflag:$0x3] =	sbarrier.arrive $0xFFFF  }
0xc4: {  	_ =	shalt  }

</sc_bundles>
